<compile_context>
chip_gen: v7x
topology: tpu7x:2x2x1
jax: 0.10.2.dev20260603
libtpu: 0.0.44.dev20260713+nightly
codegen_flags: <defaults>
</compile_context>

<pallas_src>
import functools

import jax
import jax.numpy as jnp
from jax import lax
from jax.experimental import pallas as pl
from jax.experimental.pallas import tpu as pltpu
from jax.experimental.pallas import tpu_sc as plsc

_B = 8
_N = 5000
_NP = 5120
_NUM_DET = 3
_IOU_THRESH = 0.5
_L = 16
_TCB = 6
_SCB = _B - _TCB
_SPI = 8
_SH = _NP // _SPI
_SHCHUNK = _SH // _L
_BIG_I32 = 2**31 - 1



def _tc_body(s_ref, bt_ref, cls_ref, out_ref):
    s = s_ref[: _TCB, :]
    x1 = bt_ref[0, : _TCB, :]
    y1 = bt_ref[1, : _TCB, :]
    x2 = bt_ref[2, : _TCB, :]
    y2 = bt_ref[3, : _TCB, :]
    cls = cls_ref[: _TCB, :]
    iota = lax.broadcasted_iota(jnp.int32, s.shape, 1)
    neg_inf = jnp.float32(-jnp.inf)
    zero = jnp.float32(0.0)
    cols = []
    for d in range(_NUM_DET):
        m = jnp.max(s, axis=1, keepdims=True)
        cand = jnp.where(s == m, iota, jnp.int32(_BIG_I32))
        w = jnp.min(cand, axis=1, keepdims=True)
        cols.append(w)
        if d < _NUM_DET - 1:
            sel = iota == w
            wx1 = jnp.sum(jnp.where(sel, x1, zero), axis=1, keepdims=True)
            wy1 = jnp.sum(jnp.where(sel, y1, zero), axis=1, keepdims=True)
            wx2 = jnp.sum(jnp.where(sel, x2, zero), axis=1, keepdims=True)
            wy2 = jnp.sum(jnp.where(sel, y2, zero), axis=1, keepdims=True)
            wcls = jnp.sum(jnp.where(sel, cls, 0), axis=1, keepdims=True)
            ix1 = jnp.maximum(wx1, x1)
            iy1 = jnp.maximum(wy1, y1)
            ix2 = jnp.minimum(wx2, x2)
            iy2 = jnp.minimum(wy2, y2)
            inter = (jnp.maximum(ix2 - ix1, zero) *
                     jnp.maximum(iy2 - iy1, zero))
            warea = (jnp.maximum(wx2 - wx1, zero) *
                     jnp.maximum(wy2 - wy1, zero))
            area_b = (jnp.maximum(x2 - x1, zero) *
                      jnp.maximum(y2 - y1, zero))
            iou = inter / jnp.maximum(warea + area_b - inter,
                                      jnp.float32(1e-9))
            supp = (iou > jnp.float32(_IOU_THRESH)) & (cls == wcls)
            s = jnp.where(supp, neg_inf, s)
    out_ref[...] = jnp.concatenate(cols, axis=1)


def _nms_tc(scores_p, boxest_p, classes_p):
    return pl.pallas_call(
        _tc_body,
        out_shape=jax.ShapeDtypeStruct((_TCB, _NUM_DET), jnp.int32),
    )(scores_p, boxest_p, classes_p)



def _vgather(x, idx):
    dnums = lax.GatherDimensionNumbers(
        offset_dims=(), collapsed_slice_dims=(0,), start_index_map=(0,))
    return lax.gather(x, idx[:, None], dnums, (1,),
                      mode=lax.GatherScatterMode.PROMISE_IN_BOUNDS)


def _butterfly(x, op, lane):
    for sh in (8, 4, 2, 1):
        x = op(x, _vgather(x, lane ^ sh))
    return x


def _sc_body(scores_hbm, boxest_hbm, classes_hbm, out_hbm,
             s_v, x1_v, y1_v, x2_v, y2_v, cls_v, rec_v, grp_v, out_v,
             rows_v, out_2d, sh, sh_rows, sem):
    wid = lax.axis_index("s")
    lane = lax.iota(jnp.int32, _L)
    grp = wid >> 3
    q = wid & 7
    b = _TCB + grp
    base = q * _SH

    copies = [
        pltpu.async_copy(scores_hbm.at[b, pl.ds(base, _SH)], s_v, sem),
        pltpu.async_copy(boxest_hbm.at[0, b, pl.ds(base, _SH)], x1_v, sem),
        pltpu.async_copy(boxest_hbm.at[1, b, pl.ds(base, _SH)], y1_v, sem),
        pltpu.async_copy(boxest_hbm.at[2, b, pl.ds(base, _SH)], x2_v, sem),
        pltpu.async_copy(boxest_hbm.at[3, b, pl.ds(base, _SH)], y2_v, sem),
        pltpu.async_copy(classes_hbm.at[b, pl.ds(base, _SH)], cls_v, sem),
    ]
    for cp in copies:
        cp.wait()

    neg_inf = jnp.float32(-jnp.inf)
    bv0 = jnp.full((_L,), neg_inf, jnp.float32)
    bi0 = jnp.zeros((_L,), jnp.int32)

    def pass_a(off, carry):
        bv, bi = carry
        sv = s_v[pl.ds(off, _L)]
        idx = base + off + lane
        cond = sv > bv
        return jnp.where(cond, sv, bv), jnp.where(cond, idx, bi)

    def publish(carry):
        bv, bi = carry
        m = _butterfly(bv, jnp.maximum, lane)
        cand = jnp.where(bv == m, bi, jnp.int32(_BIG_I32))
        wi = _butterfly(cand, jnp.minimum, lane)
        p = jnp.maximum(wi - base, 0)
        wx1 = plsc.load_gather(x1_v, [p])
        wy1 = plsc.load_gather(y1_v, [p])
        wx2 = plsc.load_gather(x2_v, [p])
        wy2 = plsc.load_gather(y2_v, [p])
        wclsf = plsc.bitcast(plsc.load_gather(cls_v, [p]), jnp.float32)
        wif = plsc.bitcast(wi, jnp.float32)
        rec = jnp.where(lane == 0, m,
              jnp.where(lane == 1, wif,
              jnp.where(lane == 2, wx1,
              jnp.where(lane == 3, wy1,
              jnp.where(lane == 4, wx2,
              jnp.where(lane == 5, wy2,
              jnp.where(lane == 6, wclsf, jnp.float32(0.0))))))))
        rec_v[...] = rec
        pltpu.sync_copy(rec_v, sh.at[pl.ds(wid * _L, _L)])

    def combine():
        pltpu.sync_copy(sh.at[pl.ds(grp * (_SPI * _L), _SPI * _L)], grp_v)
        ri = jnp.minimum(lane, _SPI - 1) * _L
        vals = plsc.load_gather(grp_v, [ri])
        idxs = plsc.bitcast(plsc.load_gather(grp_v, [ri + 1]), jnp.int32)
        m = _butterfly(vals, jnp.maximum, lane)
        cand = jnp.where(vals == m, idxs, jnp.int32(_BIG_I32))
        wv = _butterfly(cand, jnp.minimum, lane)
        rsel = jnp.where((vals == m) & (idxs == wv),
                         jnp.minimum(lane, _SPI - 1), jnp.int32(_BIG_I32))
        rb = _butterfly(rsel, jnp.minimum, lane) * _L
        wx1 = plsc.load_gather(grp_v, [rb + 2])
        wy1 = plsc.load_gather(grp_v, [rb + 3])
        wx2 = plsc.load_gather(grp_v, [rb + 4])
        wy2 = plsc.load_gather(grp_v, [rb + 5])
        wcls = plsc.bitcast(plsc.load_gather(grp_v, [rb + 6]), jnp.int32)
        warea = (jnp.maximum(wx2 - wx1, jnp.float32(0.0)) *
                 jnp.maximum(wy2 - wy1, jnp.float32(0.0)))
        return wv, (wx1, wy1, wx2, wy2, wcls, warea)

    def fused_body(wd, off, carry):
        wx1, wy1, wx2, wy2, wcls, warea = wd
        bv, bi = carry
        sl = pl.ds(off, _L)
        x1c = x1_v[sl]
        y1c = y1_v[sl]
        x2c = x2_v[sl]
        y2c = y2_v[sl]
        ix1 = jnp.maximum(wx1, x1c)
        iy1 = jnp.maximum(wy1, y1c)
        ix2 = jnp.minimum(wx2, x2c)
        iy2 = jnp.minimum(wy2, y2c)
        inter = (jnp.maximum(ix2 - ix1, jnp.float32(0.0)) *
                 jnp.maximum(iy2 - iy1, jnp.float32(0.0)))
        area_b = (jnp.maximum(x2c - x1c, jnp.float32(0.0)) *
                  jnp.maximum(y2c - y1c, jnp.float32(0.0)))
        iou = inter / jnp.maximum(warea + area_b - inter, jnp.float32(1e-9))
        supp = (iou > jnp.float32(_IOU_THRESH)) & (cls_v[sl] == wcls)
        sv = jnp.where(supp, neg_inf, s_v[sl])
        s_v[sl] = sv
        idx = base + off + lane
        cond = sv > bv
        return jnp.where(cond, sv, bv), jnp.where(cond, idx, bi)

    def sweep(body, carry):
        return plsc.parallel_loop(
            0, _SH, _L, unroll=4, carry=carry)(body)

    out_v[...] = jnp.zeros((_L,), jnp.int32)
    carry = sweep(pass_a, (bv0, bi0))
    for d in range(_NUM_DET):
        publish(carry)
        plsc.subcore_barrier()
        wv, wd = combine()
        plsc.subcore_barrier()
        out_v[...] = jnp.where(lane == d, wv, out_v[...])
        if d < _NUM_DET - 1:
            carry = sweep(functools.partial(fused_body, wd), (bv0, bi0))

    @pl.when(q == 0)
    def _():
        pltpu.sync_copy(out_v, sh_rows.at[pl.ds(grp * _L, _L)])
    plsc.subcore_barrier()

    @pl.when(wid == 0)
    def _():
        pltpu.sync_copy(sh_rows, rows_v)
        k = lane
        q2 = (k * 21846) >> 16
        r = k - q2 * 3
        src = jnp.minimum(q2 * _L + r, _SCB * _L - 1)
        vals = plsc.load_gather(rows_v, [src])
        plsc.store_scatter(out_2d, [jnp.minimum(q2, _SCB - 1), r], vals,
                           mask=k < _SCB * _NUM_DET)
        pltpu.sync_copy(out_2d, out_hbm)


def _nms_sc(scores_p, boxest_p, classes_p):
    mesh = plsc.VectorSubcoreMesh(core_axis_name="c", subcore_axis_name="s",
                                  num_cores=1)
    f = pl.kernel(
        _sc_body,
        out_type=jax.ShapeDtypeStruct((_SCB, _NUM_DET), jnp.int32),
        mesh=mesh,
        scratch_types=[
            pltpu.VMEM((_SH,), jnp.float32),
            pltpu.VMEM((_SH,), jnp.float32),
            pltpu.VMEM((_SH,), jnp.float32),
            pltpu.VMEM((_SH,), jnp.float32),
            pltpu.VMEM((_SH,), jnp.float32),
            pltpu.VMEM((_SH,), jnp.int32),
            pltpu.VMEM((_L,), jnp.float32),
            pltpu.VMEM((_SPI * _L,), jnp.float32),
            pltpu.VMEM((_L,), jnp.int32),
            pltpu.VMEM((_SCB * _L,), jnp.int32),
            pltpu.VMEM((_SCB, _NUM_DET), jnp.int32),
            pltpu.VMEM_SHARED((16 * _L,), jnp.float32),
            pltpu.VMEM_SHARED((_SCB * _L,), jnp.int32),
            pltpu.SemaphoreType.DMA,
        ],
        compiler_params=pltpu.CompilerParams(needs_layout_passes=False),
    )
    return f(scores_p, boxest_p, classes_p)



@jax.jit
def _nms(scores, boxest, classes):
    pad = _NP - _N
    scores_p = jnp.pad(scores, ((0, 0), (0, pad)), constant_values=-jnp.inf)
    boxest_p = jnp.pad(boxest, ((0, 0), (0, 0), (0, pad)))
    classes_p = jnp.pad(classes, ((0, 0), (0, pad)))
    tc_out = _nms_tc(scores_p, boxest_p, classes_p)
    sc_out = _nms_sc(scores_p, boxest_p, classes_p)
    return jnp.concatenate([tc_out, sc_out], axis=0)


def kernel(scores, boxes, classes):
    return _nms(scores, boxes.transpose(2, 0, 1), classes)

# --- scband reference (transcript-rebuilt; emitter-appended) ---
"""Pipeline reference for scband-nms-37924561224206 (READ-ONLY COPY).

The authoritative reference and input builder live on the scoring server;
editing this copy changes nothing except your own understanding.
"""

import jax, jax.numpy as jnp
import numpy as np

B = 8
N = 5000
NUM_DET = 3
IOU_THRESH = 0.5
NUM_CLASSES = 80


def setup_inputs(seed: int = 0) -> dict:
    key = jax.random.key(seed)
    k1, k2, k3, k4 = jax.random.split(key, 4)
    scores = jax.random.uniform(k1, (B, N), dtype=jnp.float32)
    # build valid boxes (x1,y1,x2,y2) with x2>x1, y2>y1 so IoU math is well-posed
    xy = jax.random.uniform(k2, (B, N, 2), dtype=jnp.float32) * 100.0
    wh = jax.random.uniform(k3, (B, N, 2), dtype=jnp.float32) * 10.0 + 1.0
    boxes = jnp.concatenate([xy, xy + wh], axis=-1)
    classes = jax.random.randint(k4, (B, N), 0, NUM_CLASSES, dtype=jnp.int32)
    return {"scores": scores, "boxes": boxes, "classes": classes}


def _iou_one_vs_all(box, boxes):
    x1 = jnp.maximum(box[0], boxes[:, 0])
    y1 = jnp.maximum(box[1], boxes[:, 1])
    x2 = jnp.minimum(box[2], boxes[:, 2])
    y2 = jnp.minimum(box[3], boxes[:, 3])
    inter = jnp.maximum(x2 - x1, 0.0) * jnp.maximum(y2 - y1, 0.0)
    area_a = jnp.maximum(box[2] - box[0], 0.0) * jnp.maximum(box[3] - box[1], 0.0)
    area_b = jnp.maximum(boxes[:, 2] - boxes[:, 0], 0.0) * jnp.maximum(boxes[:, 3] - boxes[:, 1], 0.0)
    return inter / jnp.maximum(area_a + area_b - inter, 1e-9)


def _nms_single(scores, boxes, classes):
    # greedy class-aware NMS, threshold=0.5, numDetections=3 (matches the
    # ai.graphcore::Nms custom-op attributes in the original module)
    valid = jnp.ones_like(scores, dtype=bool)
    selected = []
    for _ in range(NUM_DET):
        masked = jnp.where(valid, scores, -jnp.inf)
        i = jnp.argmax(masked)
        selected.append(i)
        iou = _iou_one_vs_all(boxes[i], boxes)
        suppress = (iou > IOU_THRESH) & (classes == classes[i])
        valid = valid & (~suppress)
        valid = valid.at[i].set(False)
    return jnp.stack(selected).astype(jnp.int32)


def reference(scores, boxes, classes):
    # returns int32[B, NUM_DET] indices of kept detections per image
    return jax.vmap(_nms_single)(scores, boxes, classes)

if __name__ == "__main__":
    import jax
    _d = setup_inputs()
    print(jax.jit(kernel)(*tuple(_d.values())))

</pallas_src>

<mosaic_0001>
#map = affine_map<(d0, d1) -> (0, 0)>
#map1 = affine_map<(d0, d1) -> (0, 0, 0)>
module attributes {stable_mosaic.version = 14 : i64} {
  func.func @_sc_body(%arg0: i32, %arg1: i32, %arg2: memref<8x5120xf32, #tpu.memory_space<hbm>>, %arg3: memref<4x8x5120xf32, #tpu.memory_space<hbm>>, %arg4: memref<8x5120xi32, #tpu.memory_space<hbm>>, %arg5: memref<2x3xi32, #tpu.memory_space<hbm>>, %arg6: memref<640xf32, #tpu.memory_space<vmem>>, %arg7: memref<640xf32, #tpu.memory_space<vmem>>, %arg8: memref<640xf32, #tpu.memory_space<vmem>>, %arg9: memref<640xf32, #tpu.memory_space<vmem>>, %arg10: memref<640xf32, #tpu.memory_space<vmem>>, %arg11: memref<640xi32, #tpu.memory_space<vmem>>, %arg12: memref<16xf32, #tpu.memory_space<vmem>>, %arg13: memref<128xf32, #tpu.memory_space<vmem>>, %arg14: memref<16xi32, #tpu.memory_space<vmem>>, %arg15: memref<32xi32, #tpu.memory_space<vmem>>, %arg16: memref<2x3xi32, #tpu.memory_space<vmem>>, %arg17: memref<256xf32, #tpu.memory_space<vmem_shared>>, %arg18: memref<32xi32, #tpu.memory_space<vmem_shared>>, %arg19: memref<!tpu.dma_semaphore, #tpu.memory_space<semaphore_mem>>) attributes {dimension_semantics = [#tpu.dimension_semantics<core_parallel>, #tpu.dimension_semantics<subcore_parallel>], iteration_bounds = array<i64: 1, 16>, scalar_prefetch = 0 : i64, scratch_operands = 14 : i64, tpu.core_type = #tpu.core_type<sc_vector_subcore>, window_params = [{transform_indices = #map}, {transform_indices = #map1}, {transform_indices = #map}, {transform_indices = #map}]} {
    %iota3A = tpu.iota {dimensions = array<i32: 0>} : vector<16xi32>
    %shift_right_arithmetic3A = arith.constant 3 : i32
    %shift_right_arithmetic3A_0 = arith.shrsi %arg1, %shift_right_arithmetic3A : i32
    %and3A = arith.constant 7 : i32
    %and3A_1 = arith.andi %arg1, %and3A : i32
    %add3A = arith.constant 6 : i32
    %add3A_2 = arith.addi %add3A, %shift_right_arithmetic3A_0 : i32
    %mul3A = arith.constant 640 : i32
    %mul3A_3 = arith.muli %and3A_1, %mul3A : i32
    %dma_start3A = tpu.memref_slice %arg2[%add3A_2, %mul3A_3] : memref<8x5120xf32, #tpu.memory_space<hbm>> -> memref<1x640xf32, #tpu.memory_space<hbm>>
    %dma_start3A_4 = tpu.memref_squeeze %dma_start3A : memref<1x640xf32, #tpu.memory_space<hbm>> -> memref<640xf32, #tpu.memory_space<hbm>>
    %dma_start3A_5 = tpu.memref_slice %arg2[%add3A_2, %mul3A_3] : memref<8x5120xf32, #tpu.memory_space<hbm>> -> memref<1x640xf32, #tpu.memory_space<hbm>>
    %dma_start3A_6 = tpu.memref_squeeze %dma_start3A_5 : memref<1x640xf32, #tpu.memory_space<hbm>> -> memref<640xf32, #tpu.memory_space<hbm>>
    tpu.enqueue_dma source(%dma_start3A_6 : memref<640xf32, #tpu.memory_space<hbm>>) target(%arg6 : memref<640xf32, #tpu.memory_space<vmem>>) target_semaphore(%arg19 : memref<!tpu.dma_semaphore, #tpu.memory_space<semaphore_mem>>)
    %dma_start3A_7 = arith.constant 0 : i32
    %dma_start3A_8 = tpu.memref_slice %arg3[%dma_start3A_7, %add3A_2, %mul3A_3] : memref<4x8x5120xf32, #tpu.memory_space<hbm>> -> memref<1x1x640xf32, #tpu.memory_space<hbm>>
    %dma_start3A_9 = tpu.memref_squeeze %dma_start3A_8 : memref<1x1x640xf32, #tpu.memory_space<hbm>> -> memref<640xf32, #tpu.memory_space<hbm>>
    %dma_start3A_10 = tpu.memref_slice %arg3[%dma_start3A_7, %add3A_2, %mul3A_3] : memref<4x8x5120xf32, #tpu.memory_space<hbm>> -> memref<1x1x640xf32, #tpu.memory_space<hbm>>
    %dma_start3A_11 = tpu.memref_squeeze %dma_start3A_10 : memref<1x1x640xf32, #tpu.memory_space<hbm>> -> memref<640xf32, #tpu.memory_space<hbm>>
    tpu.enqueue_dma source(%dma_start3A_11 : memref<640xf32, #tpu.memory_space<hbm>>) target(%arg7 : memref<640xf32, #tpu.memory_space<vmem>>) target_semaphore(%arg19 : memref<!tpu.dma_semaphore, #tpu.memory_space<semaphore_mem>>)
    %dma_start3A_12 = arith.constant 1 : i32
    %dma_start3A_13 = tpu.memref_slice %arg3[%dma_start3A_12, %add3A_2, %mul3A_3] : memref<4x8x5120xf32, #tpu.memory_space<hbm>> -> memref<1x1x640xf32, #tpu.memory_space<hbm>>
    %dma_start3A_14 = tpu.memref_squeeze %dma_start3A_13 : memref<1x1x640xf32, #tpu.memory_space<hbm>> -> memref<640xf32, #tpu.memory_space<hbm>>
    %dma_start3A_15 = tpu.memref_slice %arg3[%dma_start3A_12, %add3A_2, %mul3A_3] : memref<4x8x5120xf32, #tpu.memory_space<hbm>> -> memref<1x1x640xf32, #tpu.memory_space<hbm>>
    %dma_start3A_16 = tpu.memref_squeeze %dma_start3A_15 : memref<1x1x640xf32, #tpu.memory_space<hbm>> -> memref<640xf32, #tpu.memory_space<hbm>>
    tpu.enqueue_dma source(%dma_start3A_16 : memref<640xf32, #tpu.memory_space<hbm>>) target(%arg8 : memref<640xf32, #tpu.memory_space<vmem>>) target_semaphore(%arg19 : memref<!tpu.dma_semaphore, #tpu.memory_space<semaphore_mem>>)
    %dma_start3A_17 = arith.constant 2 : i32
    %dma_start3A_18 = tpu.memref_slice %arg3[%dma_start3A_17, %add3A_2, %mul3A_3] : memref<4x8x5120xf32, #tpu.memory_space<hbm>> -> memref<1x1x640xf32, #tpu.memory_space<hbm>>
    %dma_start3A_19 = tpu.memref_squeeze %dma_start3A_18 : memref<1x1x640xf32, #tpu.memory_space<hbm>> -> memref<640xf32, #tpu.memory_space<hbm>>
    %dma_start3A_20 = tpu.memref_slice %arg3[%dma_start3A_17, %add3A_2, %mul3A_3] : memref<4x8x5120xf32, #tpu.memory_space<hbm>> -> memref<1x1x640xf32, #tpu.memory_space<hbm>>
    %dma_start3A_21 = tpu.memref_squeeze %dma_start3A_20 : memref<1x1x640xf32, #tpu.memory_space<hbm>> -> memref<640xf32, #tpu.memory_space<hbm>>
    tpu.enqueue_dma source(%dma_start3A_21 : memref<640xf32, #tpu.memory_space<hbm>>) target(%arg9 : memref<640xf32, #tpu.memory_space<vmem>>) target_semaphore(%arg19 : memref<!tpu.dma_semaphore, #tpu.memory_space<semaphore_mem>>)
    %dma_start3A_22 = arith.constant 3 : i32
    %dma_start3A_23 = tpu.memref_slice %arg3[%dma_start3A_22, %add3A_2, %mul3A_3] : memref<4x8x5120xf32, #tpu.memory_space<hbm>> -> memref<1x1x640xf32, #tpu.memory_space<hbm>>
    %dma_start3A_24 = tpu.memref_squeeze %dma_start3A_23 : memref<1x1x640xf32, #tpu.memory_space<hbm>> -> memref<640xf32, #tpu.memory_space<hbm>>
    %dma_start3A_25 = tpu.memref_slice %arg3[%dma_start3A_22, %add3A_2, %mul3A_3] : memref<4x8x5120xf32, #tpu.memory_space<hbm>> -> memref<1x1x640xf32, #tpu.memory_space<hbm>>
    %dma_start3A_26 = tpu.memref_squeeze %dma_start3A_25 : memref<1x1x640xf32, #tpu.memory_space<hbm>> -> memref<640xf32, #tpu.memory_space<hbm>>
    tpu.enqueue_dma source(%dma_start3A_26 : memref<640xf32, #tpu.memory_space<hbm>>) target(%arg10 : memref<640xf32, #tpu.memory_space<vmem>>) target_semaphore(%arg19 : memref<!tpu.dma_semaphore, #tpu.memory_space<semaphore_mem>>)
    %dma_start3A_27 = tpu.memref_slice %arg4[%add3A_2, %mul3A_3] : memref<8x5120xi32, #tpu.memory_space<hbm>> -> memref<1x640xi32, #tpu.memory_space<hbm>>
    %dma_start3A_28 = tpu.memref_squeeze %dma_start3A_27 : memref<1x640xi32, #tpu.memory_space<hbm>> -> memref<640xi32, #tpu.memory_space<hbm>>
    %dma_start3A_29 = tpu.memref_slice %arg4[%add3A_2, %mul3A_3] : memref<8x5120xi32, #tpu.memory_space<hbm>> -> memref<1x640xi32, #tpu.memory_space<hbm>>
    %dma_start3A_30 = tpu.memref_squeeze %dma_start3A_29 : memref<1x640xi32, #tpu.memory_space<hbm>> -> memref<640xi32, #tpu.memory_space<hbm>>
    tpu.enqueue_dma source(%dma_start3A_30 : memref<640xi32, #tpu.memory_space<hbm>>) target(%arg11 : memref<640xi32, #tpu.memory_space<vmem>>) target_semaphore(%arg19 : memref<!tpu.dma_semaphore, #tpu.memory_space<semaphore_mem>>)
    %dma_wait3A = tpu.memref_slice %arg2[%add3A_2, %mul3A_3] : memref<8x5120xf32, #tpu.memory_space<hbm>> -> memref<1x640xf32, #tpu.memory_space<hbm>>
    %dma_wait3A_31 = tpu.memref_squeeze %dma_wait3A : memref<1x640xf32, #tpu.memory_space<hbm>> -> memref<640xf32, #tpu.memory_space<hbm>>
    %dma_wait3A_32 = tpu.memref_slice %arg2[%add3A_2, %mul3A_3] : memref<8x5120xf32, #tpu.memory_space<hbm>> -> memref<1x640xf32, #tpu.memory_space<hbm>>
    %dma_wait3A_33 = tpu.memref_squeeze %dma_wait3A_32 : memref<1x640xf32, #tpu.memory_space<hbm>> -> memref<640xf32, #tpu.memory_space<hbm>>
    tpu.wait_dma2 semaphore(%arg19 : memref<!tpu.dma_semaphore, #tpu.memory_space<semaphore_mem>>) src(%dma_wait3A_33 : memref<640xf32, #tpu.memory_space<hbm>>) dst(%arg6 : memref<640xf32, #tpu.memory_space<vmem>>)
    %dma_wait3A_34 = arith.constant 0 : i32
    %dma_wait3A_35 = tpu.memref_slice %arg3[%dma_wait3A_34, %add3A_2, %mul3A_3] : memref<4x8x5120xf32, #tpu.memory_space<hbm>> -> memref<1x1x640xf32, #tpu.memory_space<hbm>>
    %dma_wait3A_36 = tpu.memref_squeeze %dma_wait3A_35 : memref<1x1x640xf32, #tpu.memory_space<hbm>> -> memref<640xf32, #tpu.memory_space<hbm>>
    %dma_wait3A_37 = tpu.memref_slice %arg3[%dma_wait3A_34, %add3A_2, %mul3A_3] : memref<4x8x5120xf32, #tpu.memory_space<hbm>> -> memref<1x1x640xf32, #tpu.memory_space<hbm>>
    %dma_wait3A_38 = tpu.memref_squeeze %dma_wait3A_37 : memref<1x1x640xf32, #tpu.memory_space<hbm>> -> memref<640xf32, #tpu.memory_space<hbm>>
    tpu.wait_dma2 semaphore(%arg19 : memref<!tpu.dma_semaphore, #tpu.memory_space<semaphore_mem>>) src(%dma_wait3A_38 : memref<640xf32, #tpu.memory_space<hbm>>) dst(%arg7 : memref<640xf32, #tpu.memory_space<vmem>>)
    %dma_wait3A_39 = arith.constant 1 : i32
    %dma_wait3A_40 = tpu.memref_slice %arg3[%dma_wait3A_39, %add3A_2, %mul3A_3] : memref<4x8x5120xf32, #tpu.memory_space<hbm>> -> memref<1x1x640xf32, #tpu.memory_space<hbm>>
    %dma_wait3A_41 = tpu.memref_squeeze %dma_wait3A_40 : memref<1x1x640xf32, #tpu.memory_space<hbm>> -> memref<640xf32, #tpu.memory_space<hbm>>
    %dma_wait3A_42 = tpu.memref_slice %arg3[%dma_wait3A_39, %add3A_2, %mul3A_3] : memref<4x8x5120xf32, #tpu.memory_space<hbm>> -> memref<1x1x640xf32, #tpu.memory_space<hbm>>
    %dma_wait3A_43 = tpu.memref_squeeze %dma_wait3A_42 : memref<1x1x640xf32, #tpu.memory_space<hbm>> -> memref<640xf32, #tpu.memory_space<hbm>>
    tpu.wait_dma2 semaphore(%arg19 : memref<!tpu.dma_semaphore, #tpu.memory_space<semaphore_mem>>) src(%dma_wait3A_43 : memref<640xf32, #tpu.memory_space<hbm>>) dst(%arg8 : memref<640xf32, #tpu.memory_space<vmem>>)
    %dma_wait3A_44 = arith.constant 2 : i32
    %dma_wait3A_45 = tpu.memref_slice %arg3[%dma_wait3A_44, %add3A_2, %mul3A_3] : memref<4x8x5120xf32, #tpu.memory_space<hbm>> -> memref<1x1x640xf32, #tpu.memory_space<hbm>>
    %dma_wait3A_46 = tpu.memref_squeeze %dma_wait3A_45 : memref<1x1x640xf32, #tpu.memory_space<hbm>> -> memref<640xf32, #tpu.memory_space<hbm>>
    %dma_wait3A_47 = tpu.memref_slice %arg3[%dma_wait3A_44, %add3A_2, %mul3A_3] : memref<4x8x5120xf32, #tpu.memory_space<hbm>> -> memref<1x1x640xf32, #tpu.memory_space<hbm>>
    %dma_wait3A_48 = tpu.memref_squeeze %dma_wait3A_47 : memref<1x1x640xf32, #tpu.memory_space<hbm>> -> memref<640xf32, #tpu.memory_space<hbm>>
    tpu.wait_dma2 semaphore(%arg19 : memref<!tpu.dma_semaphore, #tpu.memory_space<semaphore_mem>>) src(%dma_wait3A_48 : memref<640xf32, #tpu.memory_space<hbm>>) dst(%arg9 : memref<640xf32, #tpu.memory_space<vmem>>)
    %dma_wait3A_49 = arith.constant 3 : i32
    %dma_wait3A_50 = tpu.memref_slice %arg3[%dma_wait3A_49, %add3A_2, %mul3A_3] : memref<4x8x5120xf32, #tpu.memory_space<hbm>> -> memref<1x1x640xf32, #tpu.memory_space<hbm>>
    %dma_wait3A_51 = tpu.memref_squeeze %dma_wait3A_50 : memref<1x1x640xf32, #tpu.memory_space<hbm>> -> memref<640xf32, #tpu.memory_space<hbm>>
    %dma_wait3A_52 = tpu.memref_slice %arg3[%dma_wait3A_49, %add3A_2, %mul3A_3] : memref<4x8x5120xf32, #tpu.memory_space<hbm>> -> memref<1x1x640xf32, #tpu.memory_space<hbm>>
    %dma_wait3A_53 = tpu.memref_squeeze %dma_wait3A_52 : memref<1x1x640xf32, #tpu.memory_space<hbm>> -> memref<640xf32, #tpu.memory_space<hbm>>
    tpu.wait_dma2 semaphore(%arg19 : memref<!tpu.dma_semaphore, #tpu.memory_space<semaphore_mem>>) src(%dma_wait3A_53 : memref<640xf32, #tpu.memory_space<hbm>>) dst(%arg10 : memref<640xf32, #tpu.memory_space<vmem>>)
    %dma_wait3A_54 = tpu.memref_slice %arg4[%add3A_2, %mul3A_3] : memref<8x5120xi32, #tpu.memory_space<hbm>> -> memref<1x640xi32, #tpu.memory_space<hbm>>
    %dma_wait3A_55 = tpu.memref_squeeze %dma_wait3A_54 : memref<1x640xi32, #tpu.memory_space<hbm>> -> memref<640xi32, #tpu.memory_space<hbm>>
    %dma_wait3A_56 = tpu.memref_slice %arg4[%add3A_2, %mul3A_3] : memref<8x5120xi32, #tpu.memory_space<hbm>> -> memref<1x640xi32, #tpu.memory_space<hbm>>
    %dma_wait3A_57 = tpu.memref_squeeze %dma_wait3A_56 : memref<1x640xi32, #tpu.memory_space<hbm>> -> memref<640xi32, #tpu.memory_space<hbm>>
    tpu.wait_dma2 semaphore(%arg19 : memref<!tpu.dma_semaphore, #tpu.memory_space<semaphore_mem>>) src(%dma_wait3A_57 : memref<640xi32, #tpu.memory_space<hbm>>) dst(%arg11 : memref<640xi32, #tpu.memory_space<vmem>>)
    %broadcast_in_dim3A = arith.constant 0xFF800000 : f32
    %broadcast_in_dim3A_58 = vector.broadcast %broadcast_in_dim3A : f32 to vector<16xf32>
    %broadcast_in_dim3A_59 = arith.constant 0 : i32
    %broadcast_in_dim3A_60 = vector.broadcast %broadcast_in_dim3A_59 : i32 to vector<16xi32>
    %broadcast_in_dim3A_61 = arith.constant 0 : i32
    %broadcast_in_dim3A_62 = vector.broadcast %broadcast_in_dim3A_61 : i32 to vector<16xi32>
    %swap3A = arith.constant 0 : index
    %swap3A_63 = tpu.vector_load %arg14[%swap3A] {strides = array<i32>} : memref<16xi32, #tpu.memory_space<vmem>>, vector<16xi32>,
    tpu.vector_store %arg14[%swap3A], %broadcast_in_dim3A_62 {strides = array<i32>} : memref<16xi32, #tpu.memory_space<vmem>>, vector<16xi32>,
    %parallel_loop3A = arith.constant 0 : i32
    %parallel_loop3A_64 = arith.constant 640 : i32
    %parallel_loop3A_65 = arith.constant 16 : i32
    %parallel_loop3A_66:2 = scf.for %parallel_loop3A_855 = %parallel_loop3A to %parallel_loop3A_64 step %parallel_loop3A_65 iter_args(%parallel_loop3A_856 = %broadcast_in_dim3A_58, %parallel_loop3A_857 = %broadcast_in_dim3A_60) -> (vector<16xf32>, vector<16xi32>)  : i32 {
      %parallel_loop3A_858 = arith.index_cast %parallel_loop3A_855 : i32 to index
      %parallel_loop3A_859 = tpu.vector_load %arg6[%parallel_loop3A_858] {strides = array<i32>} : memref<640xf32, #tpu.memory_space<vmem>>, vector<16xf32>,
      %parallel_loop3A_860 = arith.addi %mul3A_3, %parallel_loop3A_855 : i32
      %parallel_loop3A_861 = vector.broadcast %parallel_loop3A_860 : i32 to vector<16xi32>
      %parallel_loop3A_862 = arith.addi %parallel_loop3A_861, %iota3A : vector<16xi32>
      %parallel_loop3A_863 = arith.cmpf ogt, %parallel_loop3A_859, %parallel_loop3A_856 : vector<16xf32>
      %parallel_loop3A_864 = arith.select %parallel_loop3A_863, %parallel_loop3A_859, %parallel_loop3A_856 : vector<16xi1>, vector<16xf32>
      %parallel_loop3A_865 = arith.select %parallel_loop3A_863, %parallel_loop3A_862, %parallel_loop3A_857 : vector<16xi1>, vector<16xi32>
      scf.yield %parallel_loop3A_864, %parallel_loop3A_865 : vector<16xf32>, vector<16xi32>
    } {sc.loop_unroll_factor = 4 : i64, sc.parallel_access}
    %xor3A = arith.constant 8 : i32
    %xor3A_67 = vector.broadcast %xor3A : i32 to vector<16xi32>
    %xor3A_68 = arith.xori %iota3A, %xor3A_67 : vector<16xi32>
    %broadcast_in_dim3A_69 = vector.shape_cast %xor3A_68 : vector<16xi32> to vector<16x1xi32>
    %gather3A = vector.shape_cast %broadcast_in_dim3A_69 : vector<16x1xi32> to vector<16xi32>
    %gather3A_70 = tpu.dynamic_gather %parallel_loop3A_66#0[%gather3A] in [0] : vector<16xf32>, vector<16xi32> -> vector<16xf32>
    %max3A = arith.maximumf %parallel_loop3A_66#0, %gather3A_70 : vector<16xf32>
    %xor3A_71 = arith.constant 4 : i32
    %xor3A_72 = vector.broadcast %xor3A_71 : i32 to vector<16xi32>
    %xor3A_73 = arith.xori %iota3A, %xor3A_72 : vector<16xi32>
    %broadcast_in_dim3A_74 = vector.shape_cast %xor3A_73 : vector<16xi32> to vector<16x1xi32>
    %gather3A_75 = vector.shape_cast %broadcast_in_dim3A_74 : vector<16x1xi32> to vector<16xi32>
    %gather3A_76 = tpu.dynamic_gather %max3A[%gather3A_75] in [0] : vector<16xf32>, vector<16xi32> -> vector<16xf32>
    %max3A_77 = arith.maximumf %max3A, %gather3A_76 : vector<16xf32>
    %xor3A_78 = arith.constant 2 : i32
    %xor3A_79 = vector.broadcast %xor3A_78 : i32 to vector<16xi32>
    %xor3A_80 = arith.xori %iota3A, %xor3A_79 : vector<16xi32>
    %broadcast_in_dim3A_81 = vector.shape_cast %xor3A_80 : vector<16xi32> to vector<16x1xi32>
    %gather3A_82 = vector.shape_cast %broadcast_in_dim3A_81 : vector<16x1xi32> to vector<16xi32>
    %gather3A_83 = tpu.dynamic_gather %max3A_77[%gather3A_82] in [0] : vector<16xf32>, vector<16xi32> -> vector<16xf32>
    %max3A_84 = arith.maximumf %max3A_77, %gather3A_83 : vector<16xf32>
    %xor3A_85 = arith.constant 1 : i32
    %xor3A_86 = vector.broadcast %xor3A_85 : i32 to vector<16xi32>
    %xor3A_87 = arith.xori %iota3A, %xor3A_86 : vector<16xi32>
    %broadcast_in_dim3A_88 = vector.shape_cast %xor3A_87 : vector<16xi32> to vector<16x1xi32>
    %gather3A_89 = vector.shape_cast %broadcast_in_dim3A_88 : vector<16x1xi32> to vector<16xi32>
    %gather3A_90 = tpu.dynamic_gather %max3A_84[%gather3A_89] in [0] : vector<16xf32>, vector<16xi32> -> vector<16xf32>
    %max3A_91 = arith.maximumf %max3A_84, %gather3A_90 : vector<16xf32>
    %eq3A = arith.cmpf oeq, %parallel_loop3A_66#0, %max3A_91 : vector<16xf32>
    %jit3A = arith.constant 2147483647 : i32
    %broadcast_in_dim3A_92 = vector.broadcast %jit3A : i32 to vector<16xi32>
    %select_n3A = arith.select %eq3A, %parallel_loop3A_66#1, %broadcast_in_dim3A_92 : vector<16xi1>, vector<16xi32>
    %xor3A_93 = arith.constant 8 : i32
    %xor3A_94 = vector.broadcast %xor3A_93 : i32 to vector<16xi32>
    %xor3A_95 = arith.xori %iota3A, %xor3A_94 : vector<16xi32>
    %broadcast_in_dim3A_96 = vector.shape_cast %xor3A_95 : vector<16xi32> to vector<16x1xi32>
    %gather3A_97 = vector.shape_cast %broadcast_in_dim3A_96 : vector<16x1xi32> to vector<16xi32>
    %gather3A_98 = tpu.dynamic_gather %select_n3A[%gather3A_97] in [0] : vector<16xi32>, vector<16xi32> -> vector<16xi32>
    %min3A = arith.minsi %select_n3A, %gather3A_98 : vector<16xi32>
    %xor3A_99 = arith.constant 4 : i32
    %xor3A_100 = vector.broadcast %xor3A_99 : i32 to vector<16xi32>
    %xor3A_101 = arith.xori %iota3A, %xor3A_100 : vector<16xi32>
    %broadcast_in_dim3A_102 = vector.shape_cast %xor3A_101 : vector<16xi32> to vector<16x1xi32>
    %gather3A_103 = vector.shape_cast %broadcast_in_dim3A_102 : vector<16x1xi32> to vector<16xi32>
    %gather3A_104 = tpu.dynamic_gather %min3A[%gather3A_103] in [0] : vector<16xi32>, vector<16xi32> -> vector<16xi32>
    %min3A_105 = arith.minsi %min3A, %gather3A_104 : vector<16xi32>
    %xor3A_106 = arith.constant 2 : i32
    %xor3A_107 = vector.broadcast %xor3A_106 : i32 to vector<16xi32>
    %xor3A_108 = arith.xori %iota3A, %xor3A_107 : vector<16xi32>
    %broadcast_in_dim3A_109 = vector.shape_cast %xor3A_108 : vector<16xi32> to vector<16x1xi32>
    %gather3A_110 = vector.shape_cast %broadcast_in_dim3A_109 : vector<16x1xi32> to vector<16xi32>
    %gather3A_111 = tpu.dynamic_gather %min3A_105[%gather3A_110] in [0] : vector<16xi32>, vector<16xi32> -> vector<16xi32>
    %min3A_112 = arith.minsi %min3A_105, %gather3A_111 : vector<16xi32>
    %xor3A_113 = arith.constant 1 : i32
    %xor3A_114 = vector.broadcast %xor3A_113 : i32 to vector<16xi32>
    %xor3A_115 = arith.xori %iota3A, %xor3A_114 : vector<16xi32>
    %broadcast_in_dim3A_116 = vector.shape_cast %xor3A_115 : vector<16xi32> to vector<16x1xi32>
    %gather3A_117 = vector.shape_cast %broadcast_in_dim3A_116 : vector<16x1xi32> to vector<16xi32>
    %gather3A_118 = tpu.dynamic_gather %min3A_112[%gather3A_117] in [0] : vector<16xi32>, vector<16xi32> -> vector<16xi32>
    %min3A_119 = arith.minsi %min3A_112, %gather3A_118 : vector<16xi32>
    %sub3A = vector.broadcast %mul3A_3 : i32 to vector<16xi32>
    %sub3A_120 = arith.subi %min3A_119, %sub3A : vector<16xi32>
    %max3A_121 = arith.constant 0 : i32
    %max3A_122 = vector.broadcast %max3A_121 : i32 to vector<16xi32>
    %max3A_123 = arith.maxsi %sub3A_120, %max3A_122 : vector<16xi32>
    %gather3A_124 = tpu.vector_load_idx %arg7[%max3A_123] : memref<640xf32, #tpu.memory_space<vmem>>[vector<16xi32>], vector<16xf32>,
    %gather3A_125 = tpu.vector_load_idx %arg8[%max3A_123] : memref<640xf32, #tpu.memory_space<vmem>>[vector<16xi32>], vector<16xf32>,
    %gather3A_126 = tpu.vector_load_idx %arg9[%max3A_123] : memref<640xf32, #tpu.memory_space<vmem>>[vector<16xi32>], vector<16xf32>,
    %gather3A_127 = tpu.vector_load_idx %arg10[%max3A_123] : memref<640xf32, #tpu.memory_space<vmem>>[vector<16xi32>], vector<16xf32>,
    %gather3A_128 = tpu.vector_load_idx %arg11[%max3A_123] : memref<640xi32, #tpu.memory_space<vmem>>[vector<16xi32>], vector<16xi32>,
    %bitcast3A = vector.bitcast %gather3A_128 : vector<16xi32> to vector<16xf32>
    %bitcast3A_129 = vector.bitcast %min3A_119 : vector<16xi32> to vector<16xf32>
    %eq3A_130 = arith.constant 0 : i32
    %eq3A_131 = vector.broadcast %eq3A_130 : i32 to vector<16xi32>
    %eq3A_132 = arith.cmpi eq, %iota3A, %eq3A_131 : vector<16xi32>
    %eq3A_133 = arith.constant 1 : i32
    %eq3A_134 = vector.broadcast %eq3A_133 : i32 to vector<16xi32>
    %eq3A_135 = arith.cmpi eq, %iota3A, %eq3A_134 : vector<16xi32>
    %eq3A_136 = arith.constant 2 : i32
    %eq3A_137 = vector.broadcast %eq3A_136 : i32 to vector<16xi32>
    %eq3A_138 = arith.cmpi eq, %iota3A, %eq3A_137 : vector<16xi32>
    %eq3A_139 = arith.constant 3 : i32
    %eq3A_140 = vector.broadcast %eq3A_139 : i32 to vector<16xi32>
    %eq3A_141 = arith.cmpi eq, %iota3A, %eq3A_140 : vector<16xi32>
    %eq3A_142 = arith.constant 4 : i32
    %eq3A_143 = vector.broadcast %eq3A_142 : i32 to vector<16xi32>
    %eq3A_144 = arith.cmpi eq, %iota3A, %eq3A_143 : vector<16xi32>
    %eq3A_145 = arith.constant 5 : i32
    %eq3A_146 = vector.broadcast %eq3A_145 : i32 to vector<16xi32>
    %eq3A_147 = arith.cmpi eq, %iota3A, %eq3A_146 : vector<16xi32>
    %eq3A_148 = arith.constant 6 : i32
    %eq3A_149 = vector.broadcast %eq3A_148 : i32 to vector<16xi32>
    %eq3A_150 = arith.cmpi eq, %iota3A, %eq3A_149 : vector<16xi32>
    %jit3A_151 = arith.constant 0.000000e+00 : f32
    %broadcast_in_dim3A_152 = vector.broadcast %jit3A_151 : f32 to vector<16xf32>
    %select_n3A_153 = arith.select %eq3A_150, %bitcast3A, %broadcast_in_dim3A_152 : vector<16xi1>, vector<16xf32>
    %select_n3A_154 = arith.select %eq3A_147, %gather3A_127, %select_n3A_153 : vector<16xi1>, vector<16xf32>
    %select_n3A_155 = arith.select %eq3A_144, %gather3A_126, %select_n3A_154 : vector<16xi1>, vector<16xf32>
    %select_n3A_156 = arith.select %eq3A_141, %gather3A_125, %select_n3A_155 : vector<16xi1>, vector<16xf32>
    %select_n3A_157 = arith.select %eq3A_138, %gather3A_124, %select_n3A_156 : vector<16xi1>, vector<16xf32>
    %select_n3A_158 = arith.select %eq3A_135, %bitcast3A_129, %select_n3A_157 : vector<16xi1>, vector<16xf32>
    %select_n3A_159 = arith.select %eq3A_132, %max3A_91, %select_n3A_158 : vector<16xi1>, vector<16xf32>
    %swap3A_160 = arith.constant 0 : index
    %swap3A_161 = tpu.vector_load %arg12[%swap3A_160] {strides = array<i32>} : memref<16xf32, #tpu.memory_space<vmem>>, vector<16xf32>,
    tpu.vector_store %arg12[%swap3A_160], %select_n3A_159 {strides = array<i32>} : memref<16xf32, #tpu.memory_space<vmem>>, vector<16xf32>,
    %mul3A_162 = arith.constant 16 : i32
    %mul3A_163 = arith.muli %arg1, %mul3A_162 : i32
    "tpu.region"() ({
      %run_scoped3A = tpu.sem_alloc : memref<!tpu.dma_semaphore, #tpu.memory_space<semaphore_mem>>
      %dma_start3A_855 = tpu.memref_slice %arg17[%mul3A_163] : memref<256xf32, #tpu.memory_space<vmem_shared>> -> memref<16xf32, #tpu.memory_space<vmem_shared>>
      %dma_start3A_856 = tpu.memref_slice %arg17[%mul3A_163] : memref<256xf32, #tpu.memory_space<vmem_shared>> -> memref<16xf32, #tpu.memory_space<vmem_shared>>
      tpu.enqueue_dma source(%arg12 : memref<16xf32, #tpu.memory_space<vmem>>) target(%dma_start3A_856 : memref<16xf32, #tpu.memory_space<vmem_shared>>) target_semaphore(%run_scoped3A : memref<!tpu.dma_semaphore, #tpu.memory_space<semaphore_mem>>)
      %dma_wait3A_857 = tpu.memref_slice %arg17[%mul3A_163] : memref<256xf32, #tpu.memory_space<vmem_shared>> -> memref<16xf32, #tpu.memory_space<vmem_shared>>
      %dma_wait3A_858 = tpu.memref_slice %arg17[%mul3A_163] : memref<256xf32, #tpu.memory_space<vmem_shared>> -> memref<16xf32, #tpu.memory_space<vmem_shared>>
      tpu.wait_dma2 semaphore(%run_scoped3A : memref<!tpu.dma_semaphore, #tpu.memory_space<semaphore_mem>>) src(%arg12 : memref<16xf32, #tpu.memory_space<vmem>>) dst(%dma_wait3A_858 : memref<16xf32, #tpu.memory_space<vmem_shared>>)
      tpu.yield
    }) : () -> ()
    %barrier3A = arith.constant 0 : index
    tpu.barrier barrier_id(%barrier3A)
    %mul3A_164 = arith.constant 128 : i32
    %mul3A_165 = arith.muli %shift_right_arithmetic3A_0, %mul3A_164 : i32
    "tpu.region"() ({
      %run_scoped3A = tpu.sem_alloc : memref<!tpu.dma_semaphore, #tpu.memory_space<semaphore_mem>>
      %dma_start3A_855 = tpu.memref_slice %arg17[%mul3A_165] : memref<256xf32, #tpu.memory_space<vmem_shared>> -> memref<128xf32, #tpu.memory_space<vmem_shared>>
      %dma_start3A_856 = tpu.memref_slice %arg17[%mul3A_165] : memref<256xf32, #tpu.memory_space<vmem_shared>> -> memref<128xf32, #tpu.memory_space<vmem_shared>>
      tpu.enqueue_dma source(%dma_start3A_856 : memref<128xf32, #tpu.memory_space<vmem_shared>>) target(%arg13 : memref<128xf32, #tpu.memory_space<vmem>>) target_semaphore(%run_scoped3A : memref<!tpu.dma_semaphore, #tpu.memory_space<semaphore_mem>>)
      %dma_wait3A_857 = tpu.memref_slice %arg17[%mul3A_165] : memref<256xf32, #tpu.memory_space<vmem_shared>> -> memref<128xf32, #tpu.memory_space<vmem_shared>>
      %dma_wait3A_858 = tpu.memref_slice %arg17[%mul3A_165] : memref<256xf32, #tpu.memory_space<vmem_shared>> -> memref<128xf32, #tpu.memory_space<vmem_shared>>
      tpu.wait_dma2 semaphore(%run_scoped3A : memref<!tpu.dma_semaphore, #tpu.memory_space<semaphore_mem>>) src(%dma_wait3A_858 : memref<128xf32, #tpu.memory_space<vmem_shared>>) dst(%arg13 : memref<128xf32, #tpu.memory_space<vmem>>)
      tpu.yield
    }) : () -> ()
    %min3A_166 = arith.constant 7 : i32
    %min3A_167 = vector.broadcast %min3A_166 : i32 to vector<16xi32>
    %min3A_168 = arith.minsi %iota3A, %min3A_167 : vector<16xi32>
    %mul3A_169 = arith.constant 16 : i32
    %mul3A_170 = vector.broadcast %mul3A_169 : i32 to vector<16xi32>
    %mul3A_171 = arith.muli %min3A_168, %mul3A_170 : vector<16xi32>
    %gather3A_172 = tpu.vector_load_idx %arg13[%mul3A_171] : memref<128xf32, #tpu.memory_space<vmem>>[vector<16xi32>], vector<16xf32>,
    %add3A_173 = arith.constant 1 : i32
    %add3A_174 = vector.broadcast %add3A_173 : i32 to vector<16xi32>
    %add3A_175 = arith.addi %mul3A_171, %add3A_174 : vector<16xi32>
    %gather3A_176 = tpu.vector_load_idx %arg13[%add3A_175] : memref<128xf32, #tpu.memory_space<vmem>>[vector<16xi32>], vector<16xf32>,
    %bitcast3A_177 = vector.bitcast %gather3A_176 : vector<16xf32> to vector<16xi32>
    %xor3A_178 = arith.constant 8 : i32
    %xor3A_179 = vector.broadcast %xor3A_178 : i32 to vector<16xi32>
    %xor3A_180 = arith.xori %iota3A, %xor3A_179 : vector<16xi32>
    %broadcast_in_dim3A_181 = vector.shape_cast %xor3A_180 : vector<16xi32> to vector<16x1xi32>
    %gather3A_182 = vector.shape_cast %broadcast_in_dim3A_181 : vector<16x1xi32> to vector<16xi32>
    %gather3A_183 = tpu.dynamic_gather %gather3A_172[%gather3A_182] in [0] : vector<16xf32>, vector<16xi32> -> vector<16xf32>
    %max3A_184 = arith.maximumf %gather3A_172, %gather3A_183 : vector<16xf32>
    %xor3A_185 = arith.constant 4 : i32
    %xor3A_186 = vector.broadcast %xor3A_185 : i32 to vector<16xi32>
    %xor3A_187 = arith.xori %iota3A, %xor3A_186 : vector<16xi32>
    %broadcast_in_dim3A_188 = vector.shape_cast %xor3A_187 : vector<16xi32> to vector<16x1xi32>
    %gather3A_189 = vector.shape_cast %broadcast_in_dim3A_188 : vector<16x1xi32> to vector<16xi32>
    %gather3A_190 = tpu.dynamic_gather %max3A_184[%gather3A_189] in [0] : vector<16xf32>, vector<16xi32> -> vector<16xf32>
    %max3A_191 = arith.maximumf %max3A_184, %gather3A_190 : vector<16xf32>
    %xor3A_192 = arith.constant 2 : i32
    %xor3A_193 = vector.broadcast %xor3A_192 : i32 to vector<16xi32>
    %xor3A_194 = arith.xori %iota3A, %xor3A_193 : vector<16xi32>
    %broadcast_in_dim3A_195 = vector.shape_cast %xor3A_194 : vector<16xi32> to vector<16x1xi32>
    %gather3A_196 = vector.shape_cast %broadcast_in_dim3A_195 : vector<16x1xi32> to vector<16xi32>
    %gather3A_197 = tpu.dynamic_gather %max3A_191[%gather3A_196] in [0] : vector<16xf32>, vector<16xi32> -> vector<16xf32>
    %max3A_198 = arith.maximumf %max3A_191, %gather3A_197 : vector<16xf32>
    %xor3A_199 = arith.constant 1 : i32
    %xor3A_200 = vector.broadcast %xor3A_199 : i32 to vector<16xi32>
    %xor3A_201 = arith.xori %iota3A, %xor3A_200 : vector<16xi32>
    %broadcast_in_dim3A_202 = vector.shape_cast %xor3A_201 : vector<16xi32> to vector<16x1xi32>
    %gather3A_203 = vector.shape_cast %broadcast_in_dim3A_202 : vector<16x1xi32> to vector<16xi32>
    %gather3A_204 = tpu.dynamic_gather %max3A_198[%gather3A_203] in [0] : vector<16xf32>, vector<16xi32> -> vector<16xf32>
    %max3A_205 = arith.maximumf %max3A_198, %gather3A_204 : vector<16xf32>
    %eq3A_206 = arith.cmpf oeq, %gather3A_172, %max3A_205 : vector<16xf32>
    %jit3A_207 = arith.constant 2147483647 : i32
    %broadcast_in_dim3A_208 = vector.broadcast %jit3A_207 : i32 to vector<16xi32>
    %select_n3A_209 = arith.select %eq3A_206, %bitcast3A_177, %broadcast_in_dim3A_208 : vector<16xi1>, vector<16xi32>
    %xor3A_210 = arith.constant 8 : i32
    %xor3A_211 = vector.broadcast %xor3A_210 : i32 to vector<16xi32>
    %xor3A_212 = arith.xori %iota3A, %xor3A_211 : vector<16xi32>
    %broadcast_in_dim3A_213 = vector.shape_cast %xor3A_212 : vector<16xi32> to vector<16x1xi32>
    %gather3A_214 = vector.shape_cast %broadcast_in_dim3A_213 : vector<16x1xi32> to vector<16xi32>
    %gather3A_215 = tpu.dynamic_gather %select_n3A_209[%gather3A_214] in [0] : vector<16xi32>, vector<16xi32> -> vector<16xi32>
    %min3A_216 = arith.minsi %select_n3A_209, %gather3A_215 : vector<16xi32>
    %xor3A_217 = arith.constant 4 : i32
    %xor3A_218 = vector.broadcast %xor3A_217 : i32 to vector<16xi32>
    %xor3A_219 = arith.xori %iota3A, %xor3A_218 : vector<16xi32>
    %broadcast_in_dim3A_220 = vector.shape_cast %xor3A_219 : vector<16xi32> to vector<16x1xi32>
    %gather3A_221 = vector.shape_cast %broadcast_in_dim3A_220 : vector<16x1xi32> to vector<16xi32>
    %gather3A_222 = tpu.dynamic_gather %min3A_216[%gather3A_221] in [0] : vector<16xi32>, vector<16xi32> -> vector<16xi32>
    %min3A_223 = arith.minsi %min3A_216, %gather3A_222 : vector<16xi32>
    %xor3A_224 = arith.constant 2 : i32
    %xor3A_225 = vector.broadcast %xor3A_224 : i32 to vector<16xi32>
    %xor3A_226 = arith.xori %iota3A, %xor3A_225 : vector<16xi32>
    %broadcast_in_dim3A_227 = vector.shape_cast %xor3A_226 : vector<16xi32> to vector<16x1xi32>
    %gather3A_228 = vector.shape_cast %broadcast_in_dim3A_227 : vector<16x1xi32> to vector<16xi32>
    %gather3A_229 = tpu.dynamic_gather %min3A_223[%gather3A_228] in [0] : vector<16xi32>, vector<16xi32> -> vector<16xi32>
    %min3A_230 = arith.minsi %min3A_223, %gather3A_229 : vector<16xi32>
    %xor3A_231 = arith.constant 1 : i32
    %xor3A_232 = vector.broadcast %xor3A_231 : i32 to vector<16xi32>
    %xor3A_233 = arith.xori %iota3A, %xor3A_232 : vector<16xi32>
    %broadcast_in_dim3A_234 = vector.shape_cast %xor3A_233 : vector<16xi32> to vector<16x1xi32>
    %gather3A_235 = vector.shape_cast %broadcast_in_dim3A_234 : vector<16x1xi32> to vector<16xi32>
    %gather3A_236 = tpu.dynamic_gather %min3A_230[%gather3A_235] in [0] : vector<16xi32>, vector<16xi32> -> vector<16xi32>
    %min3A_237 = arith.minsi %min3A_230, %gather3A_236 : vector<16xi32>
    %eq3A_238 = arith.cmpf oeq, %gather3A_172, %max3A_205 : vector<16xf32>
    %eq3A_239 = arith.cmpi eq, %bitcast3A_177, %min3A_237 : vector<16xi32>
    %and3A_240 = arith.andi %eq3A_238, %eq3A_239 : vector<16xi1>
    %min3A_241 = arith.constant 7 : i32
    %min3A_242 = vector.broadcast %min3A_241 : i32 to vector<16xi32>
    %min3A_243 = arith.minsi %iota3A, %min3A_242 : vector<16xi32>
    %jit3A_244 = arith.constant 2147483647 : i32
    %broadcast_in_dim3A_245 = vector.broadcast %jit3A_244 : i32 to vector<16xi32>
    %select_n3A_246 = arith.select %and3A_240, %min3A_243, %broadcast_in_dim3A_245 : vector<16xi1>, vector<16xi32>
    %xor3A_247 = arith.constant 8 : i32
    %xor3A_248 = vector.broadcast %xor3A_247 : i32 to vector<16xi32>
    %xor3A_249 = arith.xori %iota3A, %xor3A_248 : vector<16xi32>
    %broadcast_in_dim3A_250 = vector.shape_cast %xor3A_249 : vector<16xi32> to vector<16x1xi32>
    %gather3A_251 = vector.shape_cast %broadcast_in_dim3A_250 : vector<16x1xi32> to vector<16xi32>
    %gather3A_252 = tpu.dynamic_gather %select_n3A_246[%gather3A_251] in [0] : vector<16xi32>, vector<16xi32> -> vector<16xi32>
    %min3A_253 = arith.minsi %select_n3A_246, %gather3A_252 : vector<16xi32>
    %xor3A_254 = arith.constant 4 : i32
    %xor3A_255 = vector.broadcast %xor3A_254 : i32 to vector<16xi32>
    %xor3A_256 = arith.xori %iota3A, %xor3A_255 : vector<16xi32>
    %broadcast_in_dim3A_257 = vector.shape_cast %xor3A_256 : vector<16xi32> to vector<16x1xi32>
    %gather3A_258 = vector.shape_cast %broadcast_in_dim3A_257 : vector<16x1xi32> to vector<16xi32>
    %gather3A_259 = tpu.dynamic_gather %min3A_253[%gather3A_258] in [0] : vector<16xi32>, vector<16xi32> -> vector<16xi32>
    %min3A_260 = arith.minsi %min3A_253, %gather3A_259 : vector<16xi32>
    %xor3A_261 = arith.constant 2 : i32
    %xor3A_262 = vector.broadcast %xor3A_261 : i32 to vector<16xi32>
    %xor3A_263 = arith.xori %iota3A, %xor3A_262 : vector<16xi32>
    %broadcast_in_dim3A_264 = vector.shape_cast %xor3A_263 : vector<16xi32> to vector<16x1xi32>
    %gather3A_265 = vector.shape_cast %broadcast_in_dim3A_264 : vector<16x1xi32> to vector<16xi32>
    %gather3A_266 = tpu.dynamic_gather %min3A_260[%gather3A_265] in [0] : vector<16xi32>, vector<16xi32> -> vector<16xi32>
    %min3A_267 = arith.minsi %min3A_260, %gather3A_266 : vector<16xi32>
    %xor3A_268 = arith.constant 1 : i32
    %xor3A_269 = vector.broadcast %xor3A_268 : i32 to vector<16xi32>
    %xor3A_270 = arith.xori %iota3A, %xor3A_269 : vector<16xi32>
    %broadcast_in_dim3A_271 = vector.shape_cast %xor3A_270 : vector<16xi32> to vector<16x1xi32>
    %gather3A_272 = vector.shape_cast %broadcast_in_dim3A_271 : vector<16x1xi32> to vector<16xi32>
    %gather3A_273 = tpu.dynamic_gather %min3A_267[%gather3A_272] in [0] : vector<16xi32>, vector<16xi32> -> vector<16xi32>
    %min3A_274 = arith.minsi %min3A_267, %gather3A_273 : vector<16xi32>
    %mul3A_275 = arith.constant 16 : i32
    %mul3A_276 = vector.broadcast %mul3A_275 : i32 to vector<16xi32>
    %mul3A_277 = arith.muli %min3A_274, %mul3A_276 : vector<16xi32>
    %add3A_278 = arith.constant 2 : i32
    %add3A_279 = vector.broadcast %add3A_278 : i32 to vector<16xi32>
    %add3A_280 = arith.addi %mul3A_277, %add3A_279 : vector<16xi32>
    %gather3A_281 = tpu.vector_load_idx %arg13[%add3A_280] : memref<128xf32, #tpu.memory_space<vmem>>[vector<16xi32>], vector<16xf32>,
    %add3A_282 = arith.constant 3 : i32
    %add3A_283 = vector.broadcast %add3A_282 : i32 to vector<16xi32>
    %add3A_284 = arith.addi %mul3A_277, %add3A_283 : vector<16xi32>
    %gather3A_285 = tpu.vector_load_idx %arg13[%add3A_284] : memref<128xf32, #tpu.memory_space<vmem>>[vector<16xi32>], vector<16xf32>,
    %add3A_286 = arith.constant 4 : i32
    %add3A_287 = vector.broadcast %add3A_286 : i32 to vector<16xi32>
    %add3A_288 = arith.addi %mul3A_277, %add3A_287 : vector<16xi32>
    %gather3A_289 = tpu.vector_load_idx %arg13[%add3A_288] : memref<128xf32, #tpu.memory_space<vmem>>[vector<16xi32>], vector<16xf32>,
    %add3A_290 = arith.constant 5 : i32
    %add3A_291 = vector.broadcast %add3A_290 : i32 to vector<16xi32>
    %add3A_292 = arith.addi %mul3A_277, %add3A_291 : vector<16xi32>
    %gather3A_293 = tpu.vector_load_idx %arg13[%add3A_292] : memref<128xf32, #tpu.memory_space<vmem>>[vector<16xi32>], vector<16xf32>,
    %add3A_294 = arith.constant 6 : i32
    %add3A_295 = vector.broadcast %add3A_294 : i32 to vector<16xi32>
    %add3A_296 = arith.addi %mul3A_277, %add3A_295 : vector<16xi32>
    %gather3A_297 = tpu.vector_load_idx %arg13[%add3A_296] : memref<128xf32, #tpu.memory_space<vmem>>[vector<16xi32>], vector<16xf32>,
    %bitcast3A_298 = vector.bitcast %gather3A_297 : vector<16xf32> to vector<16xi32>
    %sub3A_299 = arith.subf %gather3A_289, %gather3A_281 : vector<16xf32>
    %max3A_300 = arith.constant 0.000000e+00 : f32
    %max3A_301 = vector.broadcast %max3A_300 : f32 to vector<16xf32>
    %max3A_302 = arith.maximumf %sub3A_299, %max3A_301 : vector<16xf32>
    %sub3A_303 = arith.subf %gather3A_293, %gather3A_285 : vector<16xf32>
    %max3A_304 = arith.constant 0.000000e+00 : f32
    %max3A_305 = vector.broadcast %max3A_304 : f32 to vector<16xf32>
    %max3A_306 = arith.maximumf %sub3A_303, %max3A_305 : vector<16xf32>
    %mul3A_307 = arith.mulf %max3A_302, %max3A_306 : vector<16xf32>
    %barrier3A_308 = arith.constant 0 : index
    tpu.barrier barrier_id(%barrier3A_308)
    %eq3A_309 = arith.constant 0 : i32
    %eq3A_310 = vector.broadcast %eq3A_309 : i32 to vector<16xi32>
    %eq3A_311 = arith.cmpi eq, %iota3A, %eq3A_310 : vector<16xi32>
    %get3A = arith.constant 0 : index
    %get3A_312 = tpu.vector_load %arg14[%get3A] {strides = array<i32>} : memref<16xi32, #tpu.memory_space<vmem>>, vector<16xi32>,
    %select_n3A_313 = arith.select %eq3A_311, %min3A_237, %get3A_312 : vector<16xi1>, vector<16xi32>
    %swap3A_314 = arith.constant 0 : index
    %swap3A_315 = tpu.vector_load %arg14[%swap3A_314] {strides = array<i32>} : memref<16xi32, #tpu.memory_space<vmem>>, vector<16xi32>,
    tpu.vector_store %arg14[%swap3A_314], %select_n3A_313 {strides = array<i32>} : memref<16xi32, #tpu.memory_space<vmem>>, vector<16xi32>,
    %parallel_loop3A_316 = arith.constant 0 : i32
    %parallel_loop3A_317 = arith.constant 640 : i32
    %parallel_loop3A_318 = arith.constant 16 : i32
    %parallel_loop3A_319 = arith.constant 0xFF800000 : f32
    %parallel_loop3A_320:2 = scf.for %parallel_loop3A_855 = %parallel_loop3A_316 to %parallel_loop3A_317 step %parallel_loop3A_318 iter_args(%parallel_loop3A_856 = %broadcast_in_dim3A_58, %parallel_loop3A_857 = %broadcast_in_dim3A_60) -> (vector<16xf32>, vector<16xi32>)  : i32 {
      %parallel_loop3A_858 = arith.index_cast %parallel_loop3A_855 : i32 to index
      %parallel_loop3A_859 = tpu.vector_load %arg7[%parallel_loop3A_858] {strides = array<i32>} : memref<640xf32, #tpu.memory_space<vmem>>, vector<16xf32>,
      %parallel_loop3A_860 = arith.index_cast %parallel_loop3A_855 : i32 to index
      %parallel_loop3A_861 = tpu.vector_load %arg8[%parallel_loop3A_860] {strides = array<i32>} : memref<640xf32, #tpu.memory_space<vmem>>, vector<16xf32>,
      %parallel_loop3A_862 = arith.index_cast %parallel_loop3A_855 : i32 to index
      %parallel_loop3A_863 = tpu.vector_load %arg9[%parallel_loop3A_862] {strides = array<i32>} : memref<640xf32, #tpu.memory_space<vmem>>, vector<16xf32>,
      %parallel_loop3A_864 = arith.index_cast %parallel_loop3A_855 : i32 to index
      %parallel_loop3A_865 = tpu.vector_load %arg10[%parallel_loop3A_864] {strides = array<i32>} : memref<640xf32, #tpu.memory_space<vmem>>, vector<16xf32>,
      %parallel_loop3A_866 = arith.maximumf %gather3A_281, %parallel_loop3A_859 : vector<16xf32>
      %parallel_loop3A_867 = arith.maximumf %gather3A_285, %parallel_loop3A_861 : vector<16xf32>
      %parallel_loop3A_868 = arith.minimumf %gather3A_289, %parallel_loop3A_863 : vector<16xf32>
      %parallel_loop3A_869 = arith.minimumf %gather3A_293, %parallel_loop3A_865 : vector<16xf32>
      %parallel_loop3A_870 = arith.subf %parallel_loop3A_868, %parallel_loop3A_866 : vector<16xf32>
      %parallel_loop3A_871 = arith.constant 0.000000e+00 : f32
      %parallel_loop3A_872 = vector.broadcast %parallel_loop3A_871 : f32 to vector<16xf32>
      %parallel_loop3A_873 = arith.maximumf %parallel_loop3A_870, %parallel_loop3A_872 : vector<16xf32>
      %parallel_loop3A_874 = arith.subf %parallel_loop3A_869, %parallel_loop3A_867 : vector<16xf32>
      %parallel_loop3A_875 = arith.constant 0.000000e+00 : f32
      %parallel_loop3A_876 = vector.broadcast %parallel_loop3A_875 : f32 to vector<16xf32>
      %parallel_loop3A_877 = arith.maximumf %parallel_loop3A_874, %parallel_loop3A_876 : vector<16xf32>
      %parallel_loop3A_878 = arith.mulf %parallel_loop3A_873, %parallel_loop3A_877 : vector<16xf32>
      %parallel_loop3A_879 = arith.subf %parallel_loop3A_863, %parallel_loop3A_859 : vector<16xf32>
      %parallel_loop3A_880 = arith.constant 0.000000e+00 : f32
      %parallel_loop3A_881 = vector.broadcast %parallel_loop3A_880 : f32 to vector<16xf32>
      %parallel_loop3A_882 = arith.maximumf %parallel_loop3A_879, %parallel_loop3A_881 : vector<16xf32>
      %parallel_loop3A_883 = arith.subf %parallel_loop3A_865, %parallel_loop3A_861 : vector<16xf32>
      %parallel_loop3A_884 = arith.constant 0.000000e+00 : f32
      %parallel_loop3A_885 = vector.broadcast %parallel_loop3A_884 : f32 to vector<16xf32>
      %parallel_loop3A_886 = arith.maximumf %parallel_loop3A_883, %parallel_loop3A_885 : vector<16xf32>
      %parallel_loop3A_887 = arith.mulf %parallel_loop3A_882, %parallel_loop3A_886 : vector<16xf32>
      %parallel_loop3A_888 = arith.addf %mul3A_307, %parallel_loop3A_887 : vector<16xf32>
      %parallel_loop3A_889 = arith.subf %parallel_loop3A_888, %parallel_loop3A_878 : vector<16xf32>
      %parallel_loop3A_890 = arith.constant 9.99999971E-10 : f32
      %parallel_loop3A_891 = vector.broadcast %parallel_loop3A_890 : f32 to vector<16xf32>
      %parallel_loop3A_892 = arith.maximumf %parallel_loop3A_889, %parallel_loop3A_891 : vector<16xf32>
      %parallel_loop3A_893 = arith.divf %parallel_loop3A_878, %parallel_loop3A_892 : vector<16xf32>
      %parallel_loop3A_894 = arith.constant 5.000000e-01 : f32
      %parallel_loop3A_895 = vector.broadcast %parallel_loop3A_894 : f32 to vector<16xf32>
      %parallel_loop3A_896 = arith.cmpf ogt, %parallel_loop3A_893, %parallel_loop3A_895 : vector<16xf32>
      %parallel_loop3A_897 = arith.index_cast %parallel_loop3A_855 : i32 to index
      %parallel_loop3A_898 = tpu.vector_load %arg11[%parallel_loop3A_897] {strides = array<i32>} : memref<640xi32, #tpu.memory_space<vmem>>, vector<16xi32>,
      %parallel_loop3A_899 = arith.cmpi eq, %parallel_loop3A_898, %bitcast3A_298 : vector<16xi32>
      %parallel_loop3A_900 = arith.andi %parallel_loop3A_896, %parallel_loop3A_899 : vector<16xi1>
      %parallel_loop3A_901 = arith.index_cast %parallel_loop3A_855 : i32 to index
      %parallel_loop3A_902 = tpu.vector_load %arg6[%parallel_loop3A_901] {strides = array<i32>} : memref<640xf32, #tpu.memory_space<vmem>>, vector<16xf32>,
      %parallel_loop3A_903 = vector.broadcast %parallel_loop3A_319 : f32 to vector<16xf32>
      %parallel_loop3A_904 = arith.select %parallel_loop3A_900, %parallel_loop3A_903, %parallel_loop3A_902 : vector<16xi1>, vector<16xf32>
      %parallel_loop3A_905 = arith.index_cast %parallel_loop3A_855 : i32 to index
      %parallel_loop3A_906 = tpu.vector_load %arg6[%parallel_loop3A_905] {strides = array<i32>} : memref<640xf32, #tpu.memory_space<vmem>>, vector<16xf32>,
      tpu.vector_store %arg6[%parallel_loop3A_905], %parallel_loop3A_904 {strides = array<i32>} : memref<640xf32, #tpu.memory_space<vmem>>, vector<16xf32>,
      %parallel_loop3A_907 = arith.addi %mul3A_3, %parallel_loop3A_855 : i32
      %parallel_loop3A_908 = vector.broadcast %parallel_loop3A_907 : i32 to vector<16xi32>
      %parallel_loop3A_909 = arith.addi %parallel_loop3A_908, %iota3A : vector<16xi32>
      %parallel_loop3A_910 = arith.cmpf ogt, %parallel_loop3A_904, %parallel_loop3A_856 : vector<16xf32>
      %parallel_loop3A_911 = arith.select %parallel_loop3A_910, %parallel_loop3A_904, %parallel_loop3A_856 : vector<16xi1>, vector<16xf32>
      %parallel_loop3A_912 = arith.select %parallel_loop3A_910, %parallel_loop3A_909, %parallel_loop3A_857 : vector<16xi1>, vector<16xi32>
      scf.yield %parallel_loop3A_911, %parallel_loop3A_912 : vector<16xf32>, vector<16xi32>
    } {sc.loop_unroll_factor = 4 : i64, sc.parallel_access}
    %xor3A_321 = arith.constant 8 : i32
    %xor3A_322 = vector.broadcast %xor3A_321 : i32 to vector<16xi32>
    %xor3A_323 = arith.xori %iota3A, %xor3A_322 : vector<16xi32>
    %broadcast_in_dim3A_324 = vector.shape_cast %xor3A_323 : vector<16xi32> to vector<16x1xi32>
    %gather3A_325 = vector.shape_cast %broadcast_in_dim3A_324 : vector<16x1xi32> to vector<16xi32>
    %gather3A_326 = tpu.dynamic_gather %parallel_loop3A_320#0[%gather3A_325] in [0] : vector<16xf32>, vector<16xi32> -> vector<16xf32>
    %max3A_327 = arith.maximumf %parallel_loop3A_320#0, %gather3A_326 : vector<16xf32>
    %xor3A_328 = arith.constant 4 : i32
    %xor3A_329 = vector.broadcast %xor3A_328 : i32 to vector<16xi32>
    %xor3A_330 = arith.xori %iota3A, %xor3A_329 : vector<16xi32>
    %broadcast_in_dim3A_331 = vector.shape_cast %xor3A_330 : vector<16xi32> to vector<16x1xi32>
    %gather3A_332 = vector.shape_cast %broadcast_in_dim3A_331 : vector<16x1xi32> to vector<16xi32>
    %gather3A_333 = tpu.dynamic_gather %max3A_327[%gather3A_332] in [0] : vector<16xf32>, vector<16xi32> -> vector<16xf32>
    %max3A_334 = arith.maximumf %max3A_327, %gather3A_333 : vector<16xf32>
    %xor3A_335 = arith.constant 2 : i32
    %xor3A_336 = vector.broadcast %xor3A_335 : i32 to vector<16xi32>
    %xor3A_337 = arith.xori %iota3A, %xor3A_336 : vector<16xi32>
    %broadcast_in_dim3A_338 = vector.shape_cast %xor3A_337 : vector<16xi32> to vector<16x1xi32>
    %gather3A_339 = vector.shape_cast %broadcast_in_dim3A_338 : vector<16x1xi32> to vector<16xi32>
    %gather3A_340 = tpu.dynamic_gather %max3A_334[%gather3A_339] in [0] : vector<16xf32>, vector<16xi32> -> vector<16xf32>
    %max3A_341 = arith.maximumf %max3A_334, %gather3A_340 : vector<16xf32>
    %xor3A_342 = arith.constant 1 : i32
    %xor3A_343 = vector.broadcast %xor3A_342 : i32 to vector<16xi32>
    %xor3A_344 = arith.xori %iota3A, %xor3A_343 : vector<16xi32>
    %broadcast_in_dim3A_345 = vector.shape_cast %xor3A_344 : vector<16xi32> to vector<16x1xi32>
    %gather3A_346 = vector.shape_cast %broadcast_in_dim3A_345 : vector<16x1xi32> to vector<16xi32>
    %gather3A_347 = tpu.dynamic_gather %max3A_341[%gather3A_346] in [0] : vector<16xf32>, vector<16xi32> -> vector<16xf32>
    %max3A_348 = arith.maximumf %max3A_341, %gather3A_347 : vector<16xf32>
    %eq3A_349 = arith.cmpf oeq, %parallel_loop3A_320#0, %max3A_348 : vector<16xf32>
    %jit3A_350 = arith.constant 2147483647 : i32
    %broadcast_in_dim3A_351 = vector.broadcast %jit3A_350 : i32 to vector<16xi32>
    %select_n3A_352 = arith.select %eq3A_349, %parallel_loop3A_320#1, %broadcast_in_dim3A_351 : vector<16xi1>, vector<16xi32>
    %xor3A_353 = arith.constant 8 : i32
    %xor3A_354 = vector.broadcast %xor3A_353 : i32 to vector<16xi32>
    %xor3A_355 = arith.xori %iota3A, %xor3A_354 : vector<16xi32>
    %broadcast_in_dim3A_356 = vector.shape_cast %xor3A_355 : vector<16xi32> to vector<16x1xi32>
    %gather3A_357 = vector.shape_cast %broadcast_in_dim3A_356 : vector<16x1xi32> to vector<16xi32>
    %gather3A_358 = tpu.dynamic_gather %select_n3A_352[%gather3A_357] in [0] : vector<16xi32>, vector<16xi32> -> vector<16xi32>
    %min3A_359 = arith.minsi %select_n3A_352, %gather3A_358 : vector<16xi32>
    %xor3A_360 = arith.constant 4 : i32
    %xor3A_361 = vector.broadcast %xor3A_360 : i32 to vector<16xi32>
    %xor3A_362 = arith.xori %iota3A, %xor3A_361 : vector<16xi32>
    %broadcast_in_dim3A_363 = vector.shape_cast %xor3A_362 : vector<16xi32> to vector<16x1xi32>
    %gather3A_364 = vector.shape_cast %broadcast_in_dim3A_363 : vector<16x1xi32> to vector<16xi32>
    %gather3A_365 = tpu.dynamic_gather %min3A_359[%gather3A_364] in [0] : vector<16xi32>, vector<16xi32> -> vector<16xi32>
    %min3A_366 = arith.minsi %min3A_359, %gather3A_365 : vector<16xi32>
    %xor3A_367 = arith.constant 2 : i32
    %xor3A_368 = vector.broadcast %xor3A_367 : i32 to vector<16xi32>
    %xor3A_369 = arith.xori %iota3A, %xor3A_368 : vector<16xi32>
    %broadcast_in_dim3A_370 = vector.shape_cast %xor3A_369 : vector<16xi32> to vector<16x1xi32>
    %gather3A_371 = vector.shape_cast %broadcast_in_dim3A_370 : vector<16x1xi32> to vector<16xi32>
    %gather3A_372 = tpu.dynamic_gather %min3A_366[%gather3A_371] in [0] : vector<16xi32>, vector<16xi32> -> vector<16xi32>
    %min3A_373 = arith.minsi %min3A_366, %gather3A_372 : vector<16xi32>
    %xor3A_374 = arith.constant 1 : i32
    %xor3A_375 = vector.broadcast %xor3A_374 : i32 to vector<16xi32>
    %xor3A_376 = arith.xori %iota3A, %xor3A_375 : vector<16xi32>
    %broadcast_in_dim3A_377 = vector.shape_cast %xor3A_376 : vector<16xi32> to vector<16x1xi32>
    %gather3A_378 = vector.shape_cast %broadcast_in_dim3A_377 : vector<16x1xi32> to vector<16xi32>
    %gather3A_379 = tpu.dynamic_gather %min3A_373[%gather3A_378] in [0] : vector<16xi32>, vector<16xi32> -> vector<16xi32>
    %min3A_380 = arith.minsi %min3A_373, %gather3A_379 : vector<16xi32>
    %sub3A_381 = vector.broadcast %mul3A_3 : i32 to vector<16xi32>
    %sub3A_382 = arith.subi %min3A_380, %sub3A_381 : vector<16xi32>
    %max3A_383 = arith.constant 0 : i32
    %max3A_384 = vector.broadcast %max3A_383 : i32 to vector<16xi32>
    %max3A_385 = arith.maxsi %sub3A_382, %max3A_384 : vector<16xi32>
    %gather3A_386 = tpu.vector_load_idx %arg7[%max3A_385] : memref<640xf32, #tpu.memory_space<vmem>>[vector<16xi32>], vector<16xf32>,
    %gather3A_387 = tpu.vector_load_idx %arg8[%max3A_385] : memref<640xf32, #tpu.memory_space<vmem>>[vector<16xi32>], vector<16xf32>,
    %gather3A_388 = tpu.vector_load_idx %arg9[%max3A_385] : memref<640xf32, #tpu.memory_space<vmem>>[vector<16xi32>], vector<16xf32>,
    %gather3A_389 = tpu.vector_load_idx %arg10[%max3A_385] : memref<640xf32, #tpu.memory_space<vmem>>[vector<16xi32>], vector<16xf32>,
    %gather3A_390 = tpu.vector_load_idx %arg11[%max3A_385] : memref<640xi32, #tpu.memory_space<vmem>>[vector<16xi32>], vector<16xi32>,
    %bitcast3A_391 = vector.bitcast %gather3A_390 : vector<16xi32> to vector<16xf32>
    %bitcast3A_392 = vector.bitcast %min3A_380 : vector<16xi32> to vector<16xf32>
    %eq3A_393 = arith.constant 0 : i32
    %eq3A_394 = vector.broadcast %eq3A_393 : i32 to vector<16xi32>
    %eq3A_395 = arith.cmpi eq, %iota3A, %eq3A_394 : vector<16xi32>
    %eq3A_396 = arith.constant 1 : i32
    %eq3A_397 = vector.broadcast %eq3A_396 : i32 to vector<16xi32>
    %eq3A_398 = arith.cmpi eq, %iota3A, %eq3A_397 : vector<16xi32>
    %eq3A_399 = arith.constant 2 : i32
    %eq3A_400 = vector.broadcast %eq3A_399 : i32 to vector<16xi32>
    %eq3A_401 = arith.cmpi eq, %iota3A, %eq3A_400 : vector<16xi32>
    %eq3A_402 = arith.constant 3 : i32
    %eq3A_403 = vector.broadcast %eq3A_402 : i32 to vector<16xi32>
    %eq3A_404 = arith.cmpi eq, %iota3A, %eq3A_403 : vector<16xi32>
    %eq3A_405 = arith.constant 4 : i32
    %eq3A_406 = vector.broadcast %eq3A_405 : i32 to vector<16xi32>
    %eq3A_407 = arith.cmpi eq, %iota3A, %eq3A_406 : vector<16xi32>
    %eq3A_408 = arith.constant 5 : i32
    %eq3A_409 = vector.broadcast %eq3A_408 : i32 to vector<16xi32>
    %eq3A_410 = arith.cmpi eq, %iota3A, %eq3A_409 : vector<16xi32>
    %eq3A_411 = arith.constant 6 : i32
    %eq3A_412 = vector.broadcast %eq3A_411 : i32 to vector<16xi32>
    %eq3A_413 = arith.cmpi eq, %iota3A, %eq3A_412 : vector<16xi32>
    %jit3A_414 = arith.constant 0.000000e+00 : f32
    %broadcast_in_dim3A_415 = vector.broadcast %jit3A_414 : f32 to vector<16xf32>
    %select_n3A_416 = arith.select %eq3A_413, %bitcast3A_391, %broadcast_in_dim3A_415 : vector<16xi1>, vector<16xf32>
    %select_n3A_417 = arith.select %eq3A_410, %gather3A_389, %select_n3A_416 : vector<16xi1>, vector<16xf32>
    %select_n3A_418 = arith.select %eq3A_407, %gather3A_388, %select_n3A_417 : vector<16xi1>, vector<16xf32>
    %select_n3A_419 = arith.select %eq3A_404, %gather3A_387, %select_n3A_418 : vector<16xi1>, vector<16xf32>
    %select_n3A_420 = arith.select %eq3A_401, %gather3A_386, %select_n3A_419 : vector<16xi1>, vector<16xf32>
    %select_n3A_421 = arith.select %eq3A_398, %bitcast3A_392, %select_n3A_420 : vector<16xi1>, vector<16xf32>
    %select_n3A_422 = arith.select %eq3A_395, %max3A_348, %select_n3A_421 : vector<16xi1>, vector<16xf32>
    %swap3A_423 = arith.constant 0 : index
    %swap3A_424 = tpu.vector_load %arg12[%swap3A_423] {strides = array<i32>} : memref<16xf32, #tpu.memory_space<vmem>>, vector<16xf32>,
    tpu.vector_store %arg12[%swap3A_423], %select_n3A_422 {strides = array<i32>} : memref<16xf32, #tpu.memory_space<vmem>>, vector<16xf32>,
    %mul3A_425 = arith.constant 16 : i32
    %mul3A_426 = arith.muli %arg1, %mul3A_425 : i32
    "tpu.region"() ({
      %run_scoped3A = tpu.sem_alloc : memref<!tpu.dma_semaphore, #tpu.memory_space<semaphore_mem>>
      %dma_start3A_855 = tpu.memref_slice %arg17[%mul3A_426] : memref<256xf32, #tpu.memory_space<vmem_shared>> -> memref<16xf32, #tpu.memory_space<vmem_shared>>
      %dma_start3A_856 = tpu.memref_slice %arg17[%mul3A_426] : memref<256xf32, #tpu.memory_space<vmem_shared>> -> memref<16xf32, #tpu.memory_space<vmem_shared>>
      tpu.enqueue_dma source(%arg12 : memref<16xf32, #tpu.memory_space<vmem>>) target(%dma_start3A_856 : memref<16xf32, #tpu.memory_space<vmem_shared>>) target_semaphore(%run_scoped3A : memref<!tpu.dma_semaphore, #tpu.memory_space<semaphore_mem>>)
      %dma_wait3A_857 = tpu.memref_slice %arg17[%mul3A_426] : memref<256xf32, #tpu.memory_space<vmem_shared>> -> memref<16xf32, #tpu.memory_space<vmem_shared>>
      %dma_wait3A_858 = tpu.memref_slice %arg17[%mul3A_426] : memref<256xf32, #tpu.memory_space<vmem_shared>> -> memref<16xf32, #tpu.memory_space<vmem_shared>>
      tpu.wait_dma2 semaphore(%run_scoped3A : memref<!tpu.dma_semaphore, #tpu.memory_space<semaphore_mem>>) src(%arg12 : memref<16xf32, #tpu.memory_space<vmem>>) dst(%dma_wait3A_858 : memref<16xf32, #tpu.memory_space<vmem_shared>>)
      tpu.yield
    }) : () -> ()
    %barrier3A_427 = arith.constant 0 : index
    tpu.barrier barrier_id(%barrier3A_427)
    %mul3A_428 = arith.constant 128 : i32
    %mul3A_429 = arith.muli %shift_right_arithmetic3A_0, %mul3A_428 : i32
    "tpu.region"() ({
      %run_scoped3A = tpu.sem_alloc : memref<!tpu.dma_semaphore, #tpu.memory_space<semaphore_mem>>
      %dma_start3A_855 = tpu.memref_slice %arg17[%mul3A_429] : memref<256xf32, #tpu.memory_space<vmem_shared>> -> memref<128xf32, #tpu.memory_space<vmem_shared>>
      %dma_start3A_856 = tpu.memref_slice %arg17[%mul3A_429] : memref<256xf32, #tpu.memory_space<vmem_shared>> -> memref<128xf32, #tpu.memory_space<vmem_shared>>
      tpu.enqueue_dma source(%dma_start3A_856 : memref<128xf32, #tpu.memory_space<vmem_shared>>) target(%arg13 : memref<128xf32, #tpu.memory_space<vmem>>) target_semaphore(%run_scoped3A : memref<!tpu.dma_semaphore, #tpu.memory_space<semaphore_mem>>)
      %dma_wait3A_857 = tpu.memref_slice %arg17[%mul3A_429] : memref<256xf32, #tpu.memory_space<vmem_shared>> -> memref<128xf32, #tpu.memory_space<vmem_shared>>
      %dma_wait3A_858 = tpu.memref_slice %arg17[%mul3A_429] : memref<256xf32, #tpu.memory_space<vmem_shared>> -> memref<128xf32, #tpu.memory_space<vmem_shared>>
      tpu.wait_dma2 semaphore(%run_scoped3A : memref<!tpu.dma_semaphore, #tpu.memory_space<semaphore_mem>>) src(%dma_wait3A_858 : memref<128xf32, #tpu.memory_space<vmem_shared>>) dst(%arg13 : memref<128xf32, #tpu.memory_space<vmem>>)
      tpu.yield
    }) : () -> ()
    %min3A_430 = arith.constant 7 : i32
    %min3A_431 = vector.broadcast %min3A_430 : i32 to vector<16xi32>
    %min3A_432 = arith.minsi %iota3A, %min3A_431 : vector<16xi32>
    %mul3A_433 = arith.constant 16 : i32
    %mul3A_434 = vector.broadcast %mul3A_433 : i32 to vector<16xi32>
    %mul3A_435 = arith.muli %min3A_432, %mul3A_434 : vector<16xi32>
    %gather3A_436 = tpu.vector_load_idx %arg13[%mul3A_435] : memref<128xf32, #tpu.memory_space<vmem>>[vector<16xi32>], vector<16xf32>,
    %add3A_437 = arith.constant 1 : i32
    %add3A_438 = vector.broadcast %add3A_437 : i32 to vector<16xi32>
    %add3A_439 = arith.addi %mul3A_435, %add3A_438 : vector<16xi32>
    %gather3A_440 = tpu.vector_load_idx %arg13[%add3A_439] : memref<128xf32, #tpu.memory_space<vmem>>[vector<16xi32>], vector<16xf32>,
    %bitcast3A_441 = vector.bitcast %gather3A_440 : vector<16xf32> to vector<16xi32>
    %xor3A_442 = arith.constant 8 : i32
    %xor3A_443 = vector.broadcast %xor3A_442 : i32 to vector<16xi32>
    %xor3A_444 = arith.xori %iota3A, %xor3A_443 : vector<16xi32>
    %broadcast_in_dim3A_445 = vector.shape_cast %xor3A_444 : vector<16xi32> to vector<16x1xi32>
    %gather3A_446 = vector.shape_cast %broadcast_in_dim3A_445 : vector<16x1xi32> to vector<16xi32>
    %gather3A_447 = tpu.dynamic_gather %gather3A_436[%gather3A_446] in [0] : vector<16xf32>, vector<16xi32> -> vector<16xf32>
    %max3A_448 = arith.maximumf %gather3A_436, %gather3A_447 : vector<16xf32>
    %xor3A_449 = arith.constant 4 : i32
    %xor3A_450 = vector.broadcast %xor3A_449 : i32 to vector<16xi32>
    %xor3A_451 = arith.xori %iota3A, %xor3A_450 : vector<16xi32>
    %broadcast_in_dim3A_452 = vector.shape_cast %xor3A_451 : vector<16xi32> to vector<16x1xi32>
    %gather3A_453 = vector.shape_cast %broadcast_in_dim3A_452 : vector<16x1xi32> to vector<16xi32>
    %gather3A_454 = tpu.dynamic_gather %max3A_448[%gather3A_453] in [0] : vector<16xf32>, vector<16xi32> -> vector<16xf32>
    %max3A_455 = arith.maximumf %max3A_448, %gather3A_454 : vector<16xf32>
    %xor3A_456 = arith.constant 2 : i32
    %xor3A_457 = vector.broadcast %xor3A_456 : i32 to vector<16xi32>
    %xor3A_458 = arith.xori %iota3A, %xor3A_457 : vector<16xi32>
    %broadcast_in_dim3A_459 = vector.shape_cast %xor3A_458 : vector<16xi32> to vector<16x1xi32>
    %gather3A_460 = vector.shape_cast %broadcast_in_dim3A_459 : vector<16x1xi32> to vector<16xi32>
    %gather3A_461 = tpu.dynamic_gather %max3A_455[%gather3A_460] in [0] : vector<16xf32>, vector<16xi32> -> vector<16xf32>
    %max3A_462 = arith.maximumf %max3A_455, %gather3A_461 : vector<16xf32>
    %xor3A_463 = arith.constant 1 : i32
    %xor3A_464 = vector.broadcast %xor3A_463 : i32 to vector<16xi32>
    %xor3A_465 = arith.xori %iota3A, %xor3A_464 : vector<16xi32>
    %broadcast_in_dim3A_466 = vector.shape_cast %xor3A_465 : vector<16xi32> to vector<16x1xi32>
    %gather3A_467 = vector.shape_cast %broadcast_in_dim3A_466 : vector<16x1xi32> to vector<16xi32>
    %gather3A_468 = tpu.dynamic_gather %max3A_462[%gather3A_467] in [0] : vector<16xf32>, vector<16xi32> -> vector<16xf32>
    %max3A_469 = arith.maximumf %max3A_462, %gather3A_468 : vector<16xf32>
    %eq3A_470 = arith.cmpf oeq, %gather3A_436, %max3A_469 : vector<16xf32>
    %jit3A_471 = arith.constant 2147483647 : i32
    %broadcast_in_dim3A_472 = vector.broadcast %jit3A_471 : i32 to vector<16xi32>
    %select_n3A_473 = arith.select %eq3A_470, %bitcast3A_441, %broadcast_in_dim3A_472 : vector<16xi1>, vector<16xi32>
    %xor3A_474 = arith.constant 8 : i32
    %xor3A_475 = vector.broadcast %xor3A_474 : i32 to vector<16xi32>
    %xor3A_476 = arith.xori %iota3A, %xor3A_475 : vector<16xi32>
    %broadcast_in_dim3A_477 = vector.shape_cast %xor3A_476 : vector<16xi32> to vector<16x1xi32>
    %gather3A_478 = vector.shape_cast %broadcast_in_dim3A_477 : vector<16x1xi32> to vector<16xi32>
    %gather3A_479 = tpu.dynamic_gather %select_n3A_473[%gather3A_478] in [0] : vector<16xi32>, vector<16xi32> -> vector<16xi32>
    %min3A_480 = arith.minsi %select_n3A_473, %gather3A_479 : vector<16xi32>
    %xor3A_481 = arith.constant 4 : i32
    %xor3A_482 = vector.broadcast %xor3A_481 : i32 to vector<16xi32>
    %xor3A_483 = arith.xori %iota3A, %xor3A_482 : vector<16xi32>
    %broadcast_in_dim3A_484 = vector.shape_cast %xor3A_483 : vector<16xi32> to vector<16x1xi32>
    %gather3A_485 = vector.shape_cast %broadcast_in_dim3A_484 : vector<16x1xi32> to vector<16xi32>
    %gather3A_486 = tpu.dynamic_gather %min3A_480[%gather3A_485] in [0] : vector<16xi32>, vector<16xi32> -> vector<16xi32>
    %min3A_487 = arith.minsi %min3A_480, %gather3A_486 : vector<16xi32>
    %xor3A_488 = arith.constant 2 : i32
    %xor3A_489 = vector.broadcast %xor3A_488 : i32 to vector<16xi32>
    %xor3A_490 = arith.xori %iota3A, %xor3A_489 : vector<16xi32>
    %broadcast_in_dim3A_491 = vector.shape_cast %xor3A_490 : vector<16xi32> to vector<16x1xi32>
    %gather3A_492 = vector.shape_cast %broadcast_in_dim3A_491 : vector<16x1xi32> to vector<16xi32>
    %gather3A_493 = tpu.dynamic_gather %min3A_487[%gather3A_492] in [0] : vector<16xi32>, vector<16xi32> -> vector<16xi32>
    %min3A_494 = arith.minsi %min3A_487, %gather3A_493 : vector<16xi32>
    %xor3A_495 = arith.constant 1 : i32
    %xor3A_496 = vector.broadcast %xor3A_495 : i32 to vector<16xi32>
    %xor3A_497 = arith.xori %iota3A, %xor3A_496 : vector<16xi32>
    %broadcast_in_dim3A_498 = vector.shape_cast %xor3A_497 : vector<16xi32> to vector<16x1xi32>
    %gather3A_499 = vector.shape_cast %broadcast_in_dim3A_498 : vector<16x1xi32> to vector<16xi32>
    %gather3A_500 = tpu.dynamic_gather %min3A_494[%gather3A_499] in [0] : vector<16xi32>, vector<16xi32> -> vector<16xi32>
    %min3A_501 = arith.minsi %min3A_494, %gather3A_500 : vector<16xi32>
    %eq3A_502 = arith.cmpf oeq, %gather3A_436, %max3A_469 : vector<16xf32>
    %eq3A_503 = arith.cmpi eq, %bitcast3A_441, %min3A_501 : vector<16xi32>
    %and3A_504 = arith.andi %eq3A_502, %eq3A_503 : vector<16xi1>
    %min3A_505 = arith.constant 7 : i32
    %min3A_506 = vector.broadcast %min3A_505 : i32 to vector<16xi32>
    %min3A_507 = arith.minsi %iota3A, %min3A_506 : vector<16xi32>
    %jit3A_508 = arith.constant 2147483647 : i32
    %broadcast_in_dim3A_509 = vector.broadcast %jit3A_508 : i32 to vector<16xi32>
    %select_n3A_510 = arith.select %and3A_504, %min3A_507, %broadcast_in_dim3A_509 : vector<16xi1>, vector<16xi32>
    %xor3A_511 = arith.constant 8 : i32
    %xor3A_512 = vector.broadcast %xor3A_511 : i32 to vector<16xi32>
    %xor3A_513 = arith.xori %iota3A, %xor3A_512 : vector<16xi32>
    %broadcast_in_dim3A_514 = vector.shape_cast %xor3A_513 : vector<16xi32> to vector<16x1xi32>
    %gather3A_515 = vector.shape_cast %broadcast_in_dim3A_514 : vector<16x1xi32> to vector<16xi32>
    %gather3A_516 = tpu.dynamic_gather %select_n3A_510[%gather3A_515] in [0] : vector<16xi32>, vector<16xi32> -> vector<16xi32>
    %min3A_517 = arith.minsi %select_n3A_510, %gather3A_516 : vector<16xi32>
    %xor3A_518 = arith.constant 4 : i32
    %xor3A_519 = vector.broadcast %xor3A_518 : i32 to vector<16xi32>
    %xor3A_520 = arith.xori %iota3A, %xor3A_519 : vector<16xi32>
    %broadcast_in_dim3A_521 = vector.shape_cast %xor3A_520 : vector<16xi32> to vector<16x1xi32>
    %gather3A_522 = vector.shape_cast %broadcast_in_dim3A_521 : vector<16x1xi32> to vector<16xi32>
    %gather3A_523 = tpu.dynamic_gather %min3A_517[%gather3A_522] in [0] : vector<16xi32>, vector<16xi32> -> vector<16xi32>
    %min3A_524 = arith.minsi %min3A_517, %gather3A_523 : vector<16xi32>
    %xor3A_525 = arith.constant 2 : i32
    %xor3A_526 = vector.broadcast %xor3A_525 : i32 to vector<16xi32>
    %xor3A_527 = arith.xori %iota3A, %xor3A_526 : vector<16xi32>
    %broadcast_in_dim3A_528 = vector.shape_cast %xor3A_527 : vector<16xi32> to vector<16x1xi32>
    %gather3A_529 = vector.shape_cast %broadcast_in_dim3A_528 : vector<16x1xi32> to vector<16xi32>
    %gather3A_530 = tpu.dynamic_gather %min3A_524[%gather3A_529] in [0] : vector<16xi32>, vector<16xi32> -> vector<16xi32>
    %min3A_531 = arith.minsi %min3A_524, %gather3A_530 : vector<16xi32>
    %xor3A_532 = arith.constant 1 : i32
    %xor3A_533 = vector.broadcast %xor3A_532 : i32 to vector<16xi32>
    %xor3A_534 = arith.xori %iota3A, %xor3A_533 : vector<16xi32>
    %broadcast_in_dim3A_535 = vector.shape_cast %xor3A_534 : vector<16xi32> to vector<16x1xi32>
    %gather3A_536 = vector.shape_cast %broadcast_in_dim3A_535 : vector<16x1xi32> to vector<16xi32>
    %gather3A_537 = tpu.dynamic_gather %min3A_531[%gather3A_536] in [0] : vector<16xi32>, vector<16xi32> -> vector<16xi32>
    %min3A_538 = arith.minsi %min3A_531, %gather3A_537 : vector<16xi32>
    %mul3A_539 = arith.constant 16 : i32
    %mul3A_540 = vector.broadcast %mul3A_539 : i32 to vector<16xi32>
    %mul3A_541 = arith.muli %min3A_538, %mul3A_540 : vector<16xi32>
    %add3A_542 = arith.constant 2 : i32
    %add3A_543 = vector.broadcast %add3A_542 : i32 to vector<16xi32>
    %add3A_544 = arith.addi %mul3A_541, %add3A_543 : vector<16xi32>
    %gather3A_545 = tpu.vector_load_idx %arg13[%add3A_544] : memref<128xf32, #tpu.memory_space<vmem>>[vector<16xi32>], vector<16xf32>,
    %add3A_546 = arith.constant 3 : i32
    %add3A_547 = vector.broadcast %add3A_546 : i32 to vector<16xi32>
    %add3A_548 = arith.addi %mul3A_541, %add3A_547 : vector<16xi32>
    %gather3A_549 = tpu.vector_load_idx %arg13[%add3A_548] : memref<128xf32, #tpu.memory_space<vmem>>[vector<16xi32>], vector<16xf32>,
    %add3A_550 = arith.constant 4 : i32
    %add3A_551 = vector.broadcast %add3A_550 : i32 to vector<16xi32>
    %add3A_552 = arith.addi %mul3A_541, %add3A_551 : vector<16xi32>
    %gather3A_553 = tpu.vector_load_idx %arg13[%add3A_552] : memref<128xf32, #tpu.memory_space<vmem>>[vector<16xi32>], vector<16xf32>,
    %add3A_554 = arith.constant 5 : i32
    %add3A_555 = vector.broadcast %add3A_554 : i32 to vector<16xi32>
    %add3A_556 = arith.addi %mul3A_541, %add3A_555 : vector<16xi32>
    %gather3A_557 = tpu.vector_load_idx %arg13[%add3A_556] : memref<128xf32, #tpu.memory_space<vmem>>[vector<16xi32>], vector<16xf32>,
    %add3A_558 = arith.constant 6 : i32
    %add3A_559 = vector.broadcast %add3A_558 : i32 to vector<16xi32>
    %add3A_560 = arith.addi %mul3A_541, %add3A_559 : vector<16xi32>
    %gather3A_561 = tpu.vector_load_idx %arg13[%add3A_560] : memref<128xf32, #tpu.memory_space<vmem>>[vector<16xi32>], vector<16xf32>,
    %bitcast3A_562 = vector.bitcast %gather3A_561 : vector<16xf32> to vector<16xi32>
    %sub3A_563 = arith.subf %gather3A_553, %gather3A_545 : vector<16xf32>
    %max3A_564 = arith.constant 0.000000e+00 : f32
    %max3A_565 = vector.broadcast %max3A_564 : f32 to vector<16xf32>
    %max3A_566 = arith.maximumf %sub3A_563, %max3A_565 : vector<16xf32>
    %sub3A_567 = arith.subf %gather3A_557, %gather3A_549 : vector<16xf32>
    %max3A_568 = arith.constant 0.000000e+00 : f32
    %max3A_569 = vector.broadcast %max3A_568 : f32 to vector<16xf32>
    %max3A_570 = arith.maximumf %sub3A_567, %max3A_569 : vector<16xf32>
    %mul3A_571 = arith.mulf %max3A_566, %max3A_570 : vector<16xf32>
    %barrier3A_572 = arith.constant 0 : index
    tpu.barrier barrier_id(%barrier3A_572)
    %eq3A_573 = arith.constant 1 : i32
    %eq3A_574 = vector.broadcast %eq3A_573 : i32 to vector<16xi32>
    %eq3A_575 = arith.cmpi eq, %iota3A, %eq3A_574 : vector<16xi32>
    %get3A_576 = arith.constant 0 : index
    %get3A_577 = tpu.vector_load %arg14[%get3A_576] {strides = array<i32>} : memref<16xi32, #tpu.memory_space<vmem>>, vector<16xi32>,
    %select_n3A_578 = arith.select %eq3A_575, %min3A_501, %get3A_577 : vector<16xi1>, vector<16xi32>
    %swap3A_579 = arith.constant 0 : index
    %swap3A_580 = tpu.vector_load %arg14[%swap3A_579] {strides = array<i32>} : memref<16xi32, #tpu.memory_space<vmem>>, vector<16xi32>,
    tpu.vector_store %arg14[%swap3A_579], %select_n3A_578 {strides = array<i32>} : memref<16xi32, #tpu.memory_space<vmem>>, vector<16xi32>,
    %parallel_loop3A_581 = arith.constant 0 : i32
    %parallel_loop3A_582 = arith.constant 640 : i32
    %parallel_loop3A_583 = arith.constant 16 : i32
    %parallel_loop3A_584 = arith.constant 0xFF800000 : f32
    %parallel_loop3A_585:2 = scf.for %parallel_loop3A_855 = %parallel_loop3A_581 to %parallel_loop3A_582 step %parallel_loop3A_583 iter_args(%parallel_loop3A_856 = %broadcast_in_dim3A_58, %parallel_loop3A_857 = %broadcast_in_dim3A_60) -> (vector<16xf32>, vector<16xi32>)  : i32 {
      %parallel_loop3A_858 = arith.index_cast %parallel_loop3A_855 : i32 to index
      %parallel_loop3A_859 = tpu.vector_load %arg7[%parallel_loop3A_858] {strides = array<i32>} : memref<640xf32, #tpu.memory_space<vmem>>, vector<16xf32>,
      %parallel_loop3A_860 = arith.index_cast %parallel_loop3A_855 : i32 to index
      %parallel_loop3A_861 = tpu.vector_load %arg8[%parallel_loop3A_860] {strides = array<i32>} : memref<640xf32, #tpu.memory_space<vmem>>, vector<16xf32>,
      %parallel_loop3A_862 = arith.index_cast %parallel_loop3A_855 : i32 to index
      %parallel_loop3A_863 = tpu.vector_load %arg9[%parallel_loop3A_862] {strides = array<i32>} : memref<640xf32, #tpu.memory_space<vmem>>, vector<16xf32>,
      %parallel_loop3A_864 = arith.index_cast %parallel_loop3A_855 : i32 to index
      %parallel_loop3A_865 = tpu.vector_load %arg10[%parallel_loop3A_864] {strides = array<i32>} : memref<640xf32, #tpu.memory_space<vmem>>, vector<16xf32>,
      %parallel_loop3A_866 = arith.maximumf %gather3A_545, %parallel_loop3A_859 : vector<16xf32>
      %parallel_loop3A_867 = arith.maximumf %gather3A_549, %parallel_loop3A_861 : vector<16xf32>
      %parallel_loop3A_868 = arith.minimumf %gather3A_553, %parallel_loop3A_863 : vector<16xf32>
      %parallel_loop3A_869 = arith.minimumf %gather3A_557, %parallel_loop3A_865 : vector<16xf32>
      %parallel_loop3A_870 = arith.subf %parallel_loop3A_868, %parallel_loop3A_866 : vector<16xf32>
      %parallel_loop3A_871 = arith.constant 0.000000e+00 : f32
      %parallel_loop3A_872 = vector.broadcast %parallel_loop3A_871 : f32 to vector<16xf32>
      %parallel_loop3A_873 = arith.maximumf %parallel_loop3A_870, %parallel_loop3A_872 : vector<16xf32>
      %parallel_loop3A_874 = arith.subf %parallel_loop3A_869, %parallel_loop3A_867 : vector<16xf32>
      %parallel_loop3A_875 = arith.constant 0.000000e+00 : f32
      %parallel_loop3A_876 = vector.broadcast %parallel_loop3A_875 : f32 to vector<16xf32>
      %parallel_loop3A_877 = arith.maximumf %parallel_loop3A_874, %parallel_loop3A_876 : vector<16xf32>
      %parallel_loop3A_878 = arith.mulf %parallel_loop3A_873, %parallel_loop3A_877 : vector<16xf32>
      %parallel_loop3A_879 = arith.subf %parallel_loop3A_863, %parallel_loop3A_859 : vector<16xf32>
      %parallel_loop3A_880 = arith.constant 0.000000e+00 : f32
      %parallel_loop3A_881 = vector.broadcast %parallel_loop3A_880 : f32 to vector<16xf32>
      %parallel_loop3A_882 = arith.maximumf %parallel_loop3A_879, %parallel_loop3A_881 : vector<16xf32>
      %parallel_loop3A_883 = arith.subf %parallel_loop3A_865, %parallel_loop3A_861 : vector<16xf32>
      %parallel_loop3A_884 = arith.constant 0.000000e+00 : f32
      %parallel_loop3A_885 = vector.broadcast %parallel_loop3A_884 : f32 to vector<16xf32>
      %parallel_loop3A_886 = arith.maximumf %parallel_loop3A_883, %parallel_loop3A_885 : vector<16xf32>
      %parallel_loop3A_887 = arith.mulf %parallel_loop3A_882, %parallel_loop3A_886 : vector<16xf32>
      %parallel_loop3A_888 = arith.addf %mul3A_571, %parallel_loop3A_887 : vector<16xf32>
      %parallel_loop3A_889 = arith.subf %parallel_loop3A_888, %parallel_loop3A_878 : vector<16xf32>
      %parallel_loop3A_890 = arith.constant 9.99999971E-10 : f32
      %parallel_loop3A_891 = vector.broadcast %parallel_loop3A_890 : f32 to vector<16xf32>
      %parallel_loop3A_892 = arith.maximumf %parallel_loop3A_889, %parallel_loop3A_891 : vector<16xf32>
      %parallel_loop3A_893 = arith.divf %parallel_loop3A_878, %parallel_loop3A_892 : vector<16xf32>
      %parallel_loop3A_894 = arith.constant 5.000000e-01 : f32
      %parallel_loop3A_895 = vector.broadcast %parallel_loop3A_894 : f32 to vector<16xf32>
      %parallel_loop3A_896 = arith.cmpf ogt, %parallel_loop3A_893, %parallel_loop3A_895 : vector<16xf32>
      %parallel_loop3A_897 = arith.index_cast %parallel_loop3A_855 : i32 to index
      %parallel_loop3A_898 = tpu.vector_load %arg11[%parallel_loop3A_897] {strides = array<i32>} : memref<640xi32, #tpu.memory_space<vmem>>, vector<16xi32>,
      %parallel_loop3A_899 = arith.cmpi eq, %parallel_loop3A_898, %bitcast3A_562 : vector<16xi32>
      %parallel_loop3A_900 = arith.andi %parallel_loop3A_896, %parallel_loop3A_899 : vector<16xi1>
      %parallel_loop3A_901 = arith.index_cast %parallel_loop3A_855 : i32 to index
      %parallel_loop3A_902 = tpu.vector_load %arg6[%parallel_loop3A_901] {strides = array<i32>} : memref<640xf32, #tpu.memory_space<vmem>>, vector<16xf32>,
      %parallel_loop3A_903 = vector.broadcast %parallel_loop3A_584 : f32 to vector<16xf32>
      %parallel_loop3A_904 = arith.select %parallel_loop3A_900, %parallel_loop3A_903, %parallel_loop3A_902 : vector<16xi1>, vector<16xf32>
      %parallel_loop3A_905 = arith.index_cast %parallel_loop3A_855 : i32 to index
      %parallel_loop3A_906 = tpu.vector_load %arg6[%parallel_loop3A_905] {strides = array<i32>} : memref<640xf32, #tpu.memory_space<vmem>>, vector<16xf32>,
      tpu.vector_store %arg6[%parallel_loop3A_905], %parallel_loop3A_904 {strides = array<i32>} : memref<640xf32, #tpu.memory_space<vmem>>, vector<16xf32>,
      %parallel_loop3A_907 = arith.addi %mul3A_3, %parallel_loop3A_855 : i32
      %parallel_loop3A_908 = vector.broadcast %parallel_loop3A_907 : i32 to vector<16xi32>
      %parallel_loop3A_909 = arith.addi %parallel_loop3A_908, %iota3A : vector<16xi32>
      %parallel_loop3A_910 = arith.cmpf ogt, %parallel_loop3A_904, %parallel_loop3A_856 : vector<16xf32>
      %parallel_loop3A_911 = arith.select %parallel_loop3A_910, %parallel_loop3A_904, %parallel_loop3A_856 : vector<16xi1>, vector<16xf32>
      %parallel_loop3A_912 = arith.select %parallel_loop3A_910, %parallel_loop3A_909, %parallel_loop3A_857 : vector<16xi1>, vector<16xi32>
      scf.yield %parallel_loop3A_911, %parallel_loop3A_912 : vector<16xf32>, vector<16xi32>
    } {sc.loop_unroll_factor = 4 : i64, sc.parallel_access}
    %xor3A_586 = arith.constant 8 : i32
    %xor3A_587 = vector.broadcast %xor3A_586 : i32 to vector<16xi32>
    %xor3A_588 = arith.xori %iota3A, %xor3A_587 : vector<16xi32>
    %broadcast_in_dim3A_589 = vector.shape_cast %xor3A_588 : vector<16xi32> to vector<16x1xi32>
    %gather3A_590 = vector.shape_cast %broadcast_in_dim3A_589 : vector<16x1xi32> to vector<16xi32>
    %gather3A_591 = tpu.dynamic_gather %parallel_loop3A_585#0[%gather3A_590] in [0] : vector<16xf32>, vector<16xi32> -> vector<16xf32>
    %max3A_592 = arith.maximumf %parallel_loop3A_585#0, %gather3A_591 : vector<16xf32>
    %xor3A_593 = arith.constant 4 : i32
    %xor3A_594 = vector.broadcast %xor3A_593 : i32 to vector<16xi32>
    %xor3A_595 = arith.xori %iota3A, %xor3A_594 : vector<16xi32>
    %broadcast_in_dim3A_596 = vector.shape_cast %xor3A_595 : vector<16xi32> to vector<16x1xi32>
    %gather3A_597 = vector.shape_cast %broadcast_in_dim3A_596 : vector<16x1xi32> to vector<16xi32>
    %gather3A_598 = tpu.dynamic_gather %max3A_592[%gather3A_597] in [0] : vector<16xf32>, vector<16xi32> -> vector<16xf32>
    %max3A_599 = arith.maximumf %max3A_592, %gather3A_598 : vector<16xf32>
    %xor3A_600 = arith.constant 2 : i32
    %xor3A_601 = vector.broadcast %xor3A_600 : i32 to vector<16xi32>
    %xor3A_602 = arith.xori %iota3A, %xor3A_601 : vector<16xi32>
    %broadcast_in_dim3A_603 = vector.shape_cast %xor3A_602 : vector<16xi32> to vector<16x1xi32>
    %gather3A_604 = vector.shape_cast %broadcast_in_dim3A_603 : vector<16x1xi32> to vector<16xi32>
    %gather3A_605 = tpu.dynamic_gather %max3A_599[%gather3A_604] in [0] : vector<16xf32>, vector<16xi32> -> vector<16xf32>
    %max3A_606 = arith.maximumf %max3A_599, %gather3A_605 : vector<16xf32>
    %xor3A_607 = arith.constant 1 : i32
    %xor3A_608 = vector.broadcast %xor3A_607 : i32 to vector<16xi32>
    %xor3A_609 = arith.xori %iota3A, %xor3A_608 : vector<16xi32>
    %broadcast_in_dim3A_610 = vector.shape_cast %xor3A_609 : vector<16xi32> to vector<16x1xi32>
    %gather3A_611 = vector.shape_cast %broadcast_in_dim3A_610 : vector<16x1xi32> to vector<16xi32>
    %gather3A_612 = tpu.dynamic_gather %max3A_606[%gather3A_611] in [0] : vector<16xf32>, vector<16xi32> -> vector<16xf32>
    %max3A_613 = arith.maximumf %max3A_606, %gather3A_612 : vector<16xf32>
    %eq3A_614 = arith.cmpf oeq, %parallel_loop3A_585#0, %max3A_613 : vector<16xf32>
    %jit3A_615 = arith.constant 2147483647 : i32
    %broadcast_in_dim3A_616 = vector.broadcast %jit3A_615 : i32 to vector<16xi32>
    %select_n3A_617 = arith.select %eq3A_614, %parallel_loop3A_585#1, %broadcast_in_dim3A_616 : vector<16xi1>, vector<16xi32>
    %xor3A_618 = arith.constant 8 : i32
    %xor3A_619 = vector.broadcast %xor3A_618 : i32 to vector<16xi32>
    %xor3A_620 = arith.xori %iota3A, %xor3A_619 : vector<16xi32>
    %broadcast_in_dim3A_621 = vector.shape_cast %xor3A_620 : vector<16xi32> to vector<16x1xi32>
    %gather3A_622 = vector.shape_cast %broadcast_in_dim3A_621 : vector<16x1xi32> to vector<16xi32>
    %gather3A_623 = tpu.dynamic_gather %select_n3A_617[%gather3A_622] in [0] : vector<16xi32>, vector<16xi32> -> vector<16xi32>
    %min3A_624 = arith.minsi %select_n3A_617, %gather3A_623 : vector<16xi32>
    %xor3A_625 = arith.constant 4 : i32
    %xor3A_626 = vector.broadcast %xor3A_625 : i32 to vector<16xi32>
    %xor3A_627 = arith.xori %iota3A, %xor3A_626 : vector<16xi32>
    %broadcast_in_dim3A_628 = vector.shape_cast %xor3A_627 : vector<16xi32> to vector<16x1xi32>
    %gather3A_629 = vector.shape_cast %broadcast_in_dim3A_628 : vector<16x1xi32> to vector<16xi32>
    %gather3A_630 = tpu.dynamic_gather %min3A_624[%gather3A_629] in [0] : vector<16xi32>, vector<16xi32> -> vector<16xi32>
    %min3A_631 = arith.minsi %min3A_624, %gather3A_630 : vector<16xi32>
    %xor3A_632 = arith.constant 2 : i32
    %xor3A_633 = vector.broadcast %xor3A_632 : i32 to vector<16xi32>
    %xor3A_634 = arith.xori %iota3A, %xor3A_633 : vector<16xi32>
    %broadcast_in_dim3A_635 = vector.shape_cast %xor3A_634 : vector<16xi32> to vector<16x1xi32>
    %gather3A_636 = vector.shape_cast %broadcast_in_dim3A_635 : vector<16x1xi32> to vector<16xi32>
    %gather3A_637 = tpu.dynamic_gather %min3A_631[%gather3A_636] in [0] : vector<16xi32>, vector<16xi32> -> vector<16xi32>
    %min3A_638 = arith.minsi %min3A_631, %gather3A_637 : vector<16xi32>
    %xor3A_639 = arith.constant 1 : i32
    %xor3A_640 = vector.broadcast %xor3A_639 : i32 to vector<16xi32>
    %xor3A_641 = arith.xori %iota3A, %xor3A_640 : vector<16xi32>
    %broadcast_in_dim3A_642 = vector.shape_cast %xor3A_641 : vector<16xi32> to vector<16x1xi32>
    %gather3A_643 = vector.shape_cast %broadcast_in_dim3A_642 : vector<16x1xi32> to vector<16xi32>
    %gather3A_644 = tpu.dynamic_gather %min3A_638[%gather3A_643] in [0] : vector<16xi32>, vector<16xi32> -> vector<16xi32>
    %min3A_645 = arith.minsi %min3A_638, %gather3A_644 : vector<16xi32>
    %sub3A_646 = vector.broadcast %mul3A_3 : i32 to vector<16xi32>
    %sub3A_647 = arith.subi %min3A_645, %sub3A_646 : vector<16xi32>
    %max3A_648 = arith.constant 0 : i32
    %max3A_649 = vector.broadcast %max3A_648 : i32 to vector<16xi32>
    %max3A_650 = arith.maxsi %sub3A_647, %max3A_649 : vector<16xi32>
    %gather3A_651 = tpu.vector_load_idx %arg7[%max3A_650] : memref<640xf32, #tpu.memory_space<vmem>>[vector<16xi32>], vector<16xf32>,
    %gather3A_652 = tpu.vector_load_idx %arg8[%max3A_650] : memref<640xf32, #tpu.memory_space<vmem>>[vector<16xi32>], vector<16xf32>,
    %gather3A_653 = tpu.vector_load_idx %arg9[%max3A_650] : memref<640xf32, #tpu.memory_space<vmem>>[vector<16xi32>], vector<16xf32>,
    %gather3A_654 = tpu.vector_load_idx %arg10[%max3A_650] : memref<640xf32, #tpu.memory_space<vmem>>[vector<16xi32>], vector<16xf32>,
    %gather3A_655 = tpu.vector_load_idx %arg11[%max3A_650] : memref<640xi32, #tpu.memory_space<vmem>>[vector<16xi32>], vector<16xi32>,
    %bitcast3A_656 = vector.bitcast %gather3A_655 : vector<16xi32> to vector<16xf32>
    %bitcast3A_657 = vector.bitcast %min3A_645 : vector<16xi32> to vector<16xf32>
    %eq3A_658 = arith.constant 0 : i32
    %eq3A_659 = vector.broadcast %eq3A_658 : i32 to vector<16xi32>
    %eq3A_660 = arith.cmpi eq, %iota3A, %eq3A_659 : vector<16xi32>
    %eq3A_661 = arith.constant 1 : i32
    %eq3A_662 = vector.broadcast %eq3A_661 : i32 to vector<16xi32>
    %eq3A_663 = arith.cmpi eq, %iota3A, %eq3A_662 : vector<16xi32>
    %eq3A_664 = arith.constant 2 : i32
    %eq3A_665 = vector.broadcast %eq3A_664 : i32 to vector<16xi32>
    %eq3A_666 = arith.cmpi eq, %iota3A, %eq3A_665 : vector<16xi32>
    %eq3A_667 = arith.constant 3 : i32
    %eq3A_668 = vector.broadcast %eq3A_667 : i32 to vector<16xi32>
    %eq3A_669 = arith.cmpi eq, %iota3A, %eq3A_668 : vector<16xi32>
    %eq3A_670 = arith.constant 4 : i32
    %eq3A_671 = vector.broadcast %eq3A_670 : i32 to vector<16xi32>
    %eq3A_672 = arith.cmpi eq, %iota3A, %eq3A_671 : vector<16xi32>
    %eq3A_673 = arith.constant 5 : i32
    %eq3A_674 = vector.broadcast %eq3A_673 : i32 to vector<16xi32>
    %eq3A_675 = arith.cmpi eq, %iota3A, %eq3A_674 : vector<16xi32>
    %eq3A_676 = arith.constant 6 : i32
    %eq3A_677 = vector.broadcast %eq3A_676 : i32 to vector<16xi32>
    %eq3A_678 = arith.cmpi eq, %iota3A, %eq3A_677 : vector<16xi32>
    %jit3A_679 = arith.constant 0.000000e+00 : f32
    %broadcast_in_dim3A_680 = vector.broadcast %jit3A_679 : f32 to vector<16xf32>
    %select_n3A_681 = arith.select %eq3A_678, %bitcast3A_656, %broadcast_in_dim3A_680 : vector<16xi1>, vector<16xf32>
    %select_n3A_682 = arith.select %eq3A_675, %gather3A_654, %select_n3A_681 : vector<16xi1>, vector<16xf32>
    %select_n3A_683 = arith.select %eq3A_672, %gather3A_653, %select_n3A_682 : vector<16xi1>, vector<16xf32>
    %select_n3A_684 = arith.select %eq3A_669, %gather3A_652, %select_n3A_683 : vector<16xi1>, vector<16xf32>
    %select_n3A_685 = arith.select %eq3A_666, %gather3A_651, %select_n3A_684 : vector<16xi1>, vector<16xf32>
    %select_n3A_686 = arith.select %eq3A_663, %bitcast3A_657, %select_n3A_685 : vector<16xi1>, vector<16xf32>
    %select_n3A_687 = arith.select %eq3A_660, %max3A_613, %select_n3A_686 : vector<16xi1>, vector<16xf32>
    %swap3A_688 = arith.constant 0 : index
    %swap3A_689 = tpu.vector_load %arg12[%swap3A_688] {strides = array<i32>} : memref<16xf32, #tpu.memory_space<vmem>>, vector<16xf32>,
    tpu.vector_store %arg12[%swap3A_688], %select_n3A_687 {strides = array<i32>} : memref<16xf32, #tpu.memory_space<vmem>>, vector<16xf32>,
    %mul3A_690 = arith.constant 16 : i32
    %mul3A_691 = arith.muli %arg1, %mul3A_690 : i32
    "tpu.region"() ({
      %run_scoped3A = tpu.sem_alloc : memref<!tpu.dma_semaphore, #tpu.memory_space<semaphore_mem>>
      %dma_start3A_855 = tpu.memref_slice %arg17[%mul3A_691] : memref<256xf32, #tpu.memory_space<vmem_shared>> -> memref<16xf32, #tpu.memory_space<vmem_shared>>
      %dma_start3A_856 = tpu.memref_slice %arg17[%mul3A_691] : memref<256xf32, #tpu.memory_space<vmem_shared>> -> memref<16xf32, #tpu.memory_space<vmem_shared>>
      tpu.enqueue_dma source(%arg12 : memref<16xf32, #tpu.memory_space<vmem>>) target(%dma_start3A_856 : memref<16xf32, #tpu.memory_space<vmem_shared>>) target_semaphore(%run_scoped3A : memref<!tpu.dma_semaphore, #tpu.memory_space<semaphore_mem>>)
      %dma_wait3A_857 = tpu.memref_slice %arg17[%mul3A_691] : memref<256xf32, #tpu.memory_space<vmem_shared>> -> memref<16xf32, #tpu.memory_space<vmem_shared>>
      %dma_wait3A_858 = tpu.memref_slice %arg17[%mul3A_691] : memref<256xf32, #tpu.memory_space<vmem_shared>> -> memref<16xf32, #tpu.memory_space<vmem_shared>>
      tpu.wait_dma2 semaphore(%run_scoped3A : memref<!tpu.dma_semaphore, #tpu.memory_space<semaphore_mem>>) src(%arg12 : memref<16xf32, #tpu.memory_space<vmem>>) dst(%dma_wait3A_858 : memref<16xf32, #tpu.memory_space<vmem_shared>>)
      tpu.yield
    }) : () -> ()
    %barrier3A_692 = arith.constant 0 : index
    tpu.barrier barrier_id(%barrier3A_692)
    %mul3A_693 = arith.constant 128 : i32
    %mul3A_694 = arith.muli %shift_right_arithmetic3A_0, %mul3A_693 : i32
    "tpu.region"() ({
      %run_scoped3A = tpu.sem_alloc : memref<!tpu.dma_semaphore, #tpu.memory_space<semaphore_mem>>
      %dma_start3A_855 = tpu.memref_slice %arg17[%mul3A_694] : memref<256xf32, #tpu.memory_space<vmem_shared>> -> memref<128xf32, #tpu.memory_space<vmem_shared>>
      %dma_start3A_856 = tpu.memref_slice %arg17[%mul3A_694] : memref<256xf32, #tpu.memory_space<vmem_shared>> -> memref<128xf32, #tpu.memory_space<vmem_shared>>
      tpu.enqueue_dma source(%dma_start3A_856 : memref<128xf32, #tpu.memory_space<vmem_shared>>) target(%arg13 : memref<128xf32, #tpu.memory_space<vmem>>) target_semaphore(%run_scoped3A : memref<!tpu.dma_semaphore, #tpu.memory_space<semaphore_mem>>)
      %dma_wait3A_857 = tpu.memref_slice %arg17[%mul3A_694] : memref<256xf32, #tpu.memory_space<vmem_shared>> -> memref<128xf32, #tpu.memory_space<vmem_shared>>
      %dma_wait3A_858 = tpu.memref_slice %arg17[%mul3A_694] : memref<256xf32, #tpu.memory_space<vmem_shared>> -> memref<128xf32, #tpu.memory_space<vmem_shared>>
      tpu.wait_dma2 semaphore(%run_scoped3A : memref<!tpu.dma_semaphore, #tpu.memory_space<semaphore_mem>>) src(%dma_wait3A_858 : memref<128xf32, #tpu.memory_space<vmem_shared>>) dst(%arg13 : memref<128xf32, #tpu.memory_space<vmem>>)
      tpu.yield
    }) : () -> ()
    %min3A_695 = arith.constant 7 : i32
    %min3A_696 = vector.broadcast %min3A_695 : i32 to vector<16xi32>
    %min3A_697 = arith.minsi %iota3A, %min3A_696 : vector<16xi32>
    %mul3A_698 = arith.constant 16 : i32
    %mul3A_699 = vector.broadcast %mul3A_698 : i32 to vector<16xi32>
    %mul3A_700 = arith.muli %min3A_697, %mul3A_699 : vector<16xi32>
    %gather3A_701 = tpu.vector_load_idx %arg13[%mul3A_700] : memref<128xf32, #tpu.memory_space<vmem>>[vector<16xi32>], vector<16xf32>,
    %add3A_702 = arith.constant 1 : i32
    %add3A_703 = vector.broadcast %add3A_702 : i32 to vector<16xi32>
    %add3A_704 = arith.addi %mul3A_700, %add3A_703 : vector<16xi32>
    %gather3A_705 = tpu.vector_load_idx %arg13[%add3A_704] : memref<128xf32, #tpu.memory_space<vmem>>[vector<16xi32>], vector<16xf32>,
    %bitcast3A_706 = vector.bitcast %gather3A_705 : vector<16xf32> to vector<16xi32>
    %xor3A_707 = arith.constant 8 : i32
    %xor3A_708 = vector.broadcast %xor3A_707 : i32 to vector<16xi32>
    %xor3A_709 = arith.xori %iota3A, %xor3A_708 : vector<16xi32>
    %broadcast_in_dim3A_710 = vector.shape_cast %xor3A_709 : vector<16xi32> to vector<16x1xi32>
    %gather3A_711 = vector.shape_cast %broadcast_in_dim3A_710 : vector<16x1xi32> to vector<16xi32>
    %gather3A_712 = tpu.dynamic_gather %gather3A_701[%gather3A_711] in [0] : vector<16xf32>, vector<16xi32> -> vector<16xf32>
    %max3A_713 = arith.maximumf %gather3A_701, %gather3A_712 : vector<16xf32>
    %xor3A_714 = arith.constant 4 : i32
    %xor3A_715 = vector.broadcast %xor3A_714 : i32 to vector<16xi32>
    %xor3A_716 = arith.xori %iota3A, %xor3A_715 : vector<16xi32>
    %broadcast_in_dim3A_717 = vector.shape_cast %xor3A_716 : vector<16xi32> to vector<16x1xi32>
    %gather3A_718 = vector.shape_cast %broadcast_in_dim3A_717 : vector<16x1xi32> to vector<16xi32>
    %gather3A_719 = tpu.dynamic_gather %max3A_713[%gather3A_718] in [0] : vector<16xf32>, vector<16xi32> -> vector<16xf32>
    %max3A_720 = arith.maximumf %max3A_713, %gather3A_719 : vector<16xf32>
    %xor3A_721 = arith.constant 2 : i32
    %xor3A_722 = vector.broadcast %xor3A_721 : i32 to vector<16xi32>
    %xor3A_723 = arith.xori %iota3A, %xor3A_722 : vector<16xi32>
    %broadcast_in_dim3A_724 = vector.shape_cast %xor3A_723 : vector<16xi32> to vector<16x1xi32>
    %gather3A_725 = vector.shape_cast %broadcast_in_dim3A_724 : vector<16x1xi32> to vector<16xi32>
    %gather3A_726 = tpu.dynamic_gather %max3A_720[%gather3A_725] in [0] : vector<16xf32>, vector<16xi32> -> vector<16xf32>
    %max3A_727 = arith.maximumf %max3A_720, %gather3A_726 : vector<16xf32>
    %xor3A_728 = arith.constant 1 : i32
    %xor3A_729 = vector.broadcast %xor3A_728 : i32 to vector<16xi32>
    %xor3A_730 = arith.xori %iota3A, %xor3A_729 : vector<16xi32>
    %broadcast_in_dim3A_731 = vector.shape_cast %xor3A_730 : vector<16xi32> to vector<16x1xi32>
    %gather3A_732 = vector.shape_cast %broadcast_in_dim3A_731 : vector<16x1xi32> to vector<16xi32>
    %gather3A_733 = tpu.dynamic_gather %max3A_727[%gather3A_732] in [0] : vector<16xf32>, vector<16xi32> -> vector<16xf32>
    %max3A_734 = arith.maximumf %max3A_727, %gather3A_733 : vector<16xf32>
    %eq3A_735 = arith.cmpf oeq, %gather3A_701, %max3A_734 : vector<16xf32>
    %jit3A_736 = arith.constant 2147483647 : i32
    %broadcast_in_dim3A_737 = vector.broadcast %jit3A_736 : i32 to vector<16xi32>
    %select_n3A_738 = arith.select %eq3A_735, %bitcast3A_706, %broadcast_in_dim3A_737 : vector<16xi1>, vector<16xi32>
    %xor3A_739 = arith.constant 8 : i32
    %xor3A_740 = vector.broadcast %xor3A_739 : i32 to vector<16xi32>
    %xor3A_741 = arith.xori %iota3A, %xor3A_740 : vector<16xi32>
    %broadcast_in_dim3A_742 = vector.shape_cast %xor3A_741 : vector<16xi32> to vector<16x1xi32>
    %gather3A_743 = vector.shape_cast %broadcast_in_dim3A_742 : vector<16x1xi32> to vector<16xi32>
    %gather3A_744 = tpu.dynamic_gather %select_n3A_738[%gather3A_743] in [0] : vector<16xi32>, vector<16xi32> -> vector<16xi32>
    %min3A_745 = arith.minsi %select_n3A_738, %gather3A_744 : vector<16xi32>
    %xor3A_746 = arith.constant 4 : i32
    %xor3A_747 = vector.broadcast %xor3A_746 : i32 to vector<16xi32>
    %xor3A_748 = arith.xori %iota3A, %xor3A_747 : vector<16xi32>
    %broadcast_in_dim3A_749 = vector.shape_cast %xor3A_748 : vector<16xi32> to vector<16x1xi32>
    %gather3A_750 = vector.shape_cast %broadcast_in_dim3A_749 : vector<16x1xi32> to vector<16xi32>
    %gather3A_751 = tpu.dynamic_gather %min3A_745[%gather3A_750] in [0] : vector<16xi32>, vector<16xi32> -> vector<16xi32>
    %min3A_752 = arith.minsi %min3A_745, %gather3A_751 : vector<16xi32>
    %xor3A_753 = arith.constant 2 : i32
    %xor3A_754 = vector.broadcast %xor3A_753 : i32 to vector<16xi32>
    %xor3A_755 = arith.xori %iota3A, %xor3A_754 : vector<16xi32>
    %broadcast_in_dim3A_756 = vector.shape_cast %xor3A_755 : vector<16xi32> to vector<16x1xi32>
    %gather3A_757 = vector.shape_cast %broadcast_in_dim3A_756 : vector<16x1xi32> to vector<16xi32>
    %gather3A_758 = tpu.dynamic_gather %min3A_752[%gather3A_757] in [0] : vector<16xi32>, vector<16xi32> -> vector<16xi32>
    %min3A_759 = arith.minsi %min3A_752, %gather3A_758 : vector<16xi32>
    %xor3A_760 = arith.constant 1 : i32
    %xor3A_761 = vector.broadcast %xor3A_760 : i32 to vector<16xi32>
    %xor3A_762 = arith.xori %iota3A, %xor3A_761 : vector<16xi32>
    %broadcast_in_dim3A_763 = vector.shape_cast %xor3A_762 : vector<16xi32> to vector<16x1xi32>
    %gather3A_764 = vector.shape_cast %broadcast_in_dim3A_763 : vector<16x1xi32> to vector<16xi32>
    %gather3A_765 = tpu.dynamic_gather %min3A_759[%gather3A_764] in [0] : vector<16xi32>, vector<16xi32> -> vector<16xi32>
    %min3A_766 = arith.minsi %min3A_759, %gather3A_765 : vector<16xi32>
    %eq3A_767 = arith.cmpf oeq, %gather3A_701, %max3A_734 : vector<16xf32>
    %eq3A_768 = arith.cmpi eq, %bitcast3A_706, %min3A_766 : vector<16xi32>
    %and3A_769 = arith.andi %eq3A_767, %eq3A_768 : vector<16xi1>
    %min3A_770 = arith.constant 7 : i32
    %min3A_771 = vector.broadcast %min3A_770 : i32 to vector<16xi32>
    %min3A_772 = arith.minsi %iota3A, %min3A_771 : vector<16xi32>
    %jit3A_773 = arith.constant 2147483647 : i32
    %broadcast_in_dim3A_774 = vector.broadcast %jit3A_773 : i32 to vector<16xi32>
    %select_n3A_775 = arith.select %and3A_769, %min3A_772, %broadcast_in_dim3A_774 : vector<16xi1>, vector<16xi32>
    %xor3A_776 = arith.constant 8 : i32
    %xor3A_777 = vector.broadcast %xor3A_776 : i32 to vector<16xi32>
    %xor3A_778 = arith.xori %iota3A, %xor3A_777 : vector<16xi32>
    %broadcast_in_dim3A_779 = vector.shape_cast %xor3A_778 : vector<16xi32> to vector<16x1xi32>
    %gather3A_780 = vector.shape_cast %broadcast_in_dim3A_779 : vector<16x1xi32> to vector<16xi32>
    %gather3A_781 = tpu.dynamic_gather %select_n3A_775[%gather3A_780] in [0] : vector<16xi32>, vector<16xi32> -> vector<16xi32>
    %min3A_782 = arith.minsi %select_n3A_775, %gather3A_781 : vector<16xi32>
    %xor3A_783 = arith.constant 4 : i32
    %xor3A_784 = vector.broadcast %xor3A_783 : i32 to vector<16xi32>
    %xor3A_785 = arith.xori %iota3A, %xor3A_784 : vector<16xi32>
    %broadcast_in_dim3A_786 = vector.shape_cast %xor3A_785 : vector<16xi32> to vector<16x1xi32>
    %gather3A_787 = vector.shape_cast %broadcast_in_dim3A_786 : vector<16x1xi32> to vector<16xi32>
    %gather3A_788 = tpu.dynamic_gather %min3A_782[%gather3A_787] in [0] : vector<16xi32>, vector<16xi32> -> vector<16xi32>
    %min3A_789 = arith.minsi %min3A_782, %gather3A_788 : vector<16xi32>
    %xor3A_790 = arith.constant 2 : i32
    %xor3A_791 = vector.broadcast %xor3A_790 : i32 to vector<16xi32>
    %xor3A_792 = arith.xori %iota3A, %xor3A_791 : vector<16xi32>
    %broadcast_in_dim3A_793 = vector.shape_cast %xor3A_792 : vector<16xi32> to vector<16x1xi32>
    %gather3A_794 = vector.shape_cast %broadcast_in_dim3A_793 : vector<16x1xi32> to vector<16xi32>
    %gather3A_795 = tpu.dynamic_gather %min3A_789[%gather3A_794] in [0] : vector<16xi32>, vector<16xi32> -> vector<16xi32>
    %min3A_796 = arith.minsi %min3A_789, %gather3A_795 : vector<16xi32>
    %xor3A_797 = arith.constant 1 : i32
    %xor3A_798 = vector.broadcast %xor3A_797 : i32 to vector<16xi32>
    %xor3A_799 = arith.xori %iota3A, %xor3A_798 : vector<16xi32>
    %broadcast_in_dim3A_800 = vector.shape_cast %xor3A_799 : vector<16xi32> to vector<16x1xi32>
    %gather3A_801 = vector.shape_cast %broadcast_in_dim3A_800 : vector<16x1xi32> to vector<16xi32>
    %gather3A_802 = tpu.dynamic_gather %min3A_796[%gather3A_801] in [0] : vector<16xi32>, vector<16xi32> -> vector<16xi32>
    %min3A_803 = arith.minsi %min3A_796, %gather3A_802 : vector<16xi32>
    %mul3A_804 = arith.constant 16 : i32
    %mul3A_805 = vector.broadcast %mul3A_804 : i32 to vector<16xi32>
    %mul3A_806 = arith.muli %min3A_803, %mul3A_805 : vector<16xi32>
    %add3A_807 = arith.constant 2 : i32
    %add3A_808 = vector.broadcast %add3A_807 : i32 to vector<16xi32>
    %add3A_809 = arith.addi %mul3A_806, %add3A_808 : vector<16xi32>
    %gather3A_810 = tpu.vector_load_idx %arg13[%add3A_809] : memref<128xf32, #tpu.memory_space<vmem>>[vector<16xi32>], vector<16xf32>,
    %add3A_811 = arith.constant 3 : i32
    %add3A_812 = vector.broadcast %add3A_811 : i32 to vector<16xi32>
    %add3A_813 = arith.addi %mul3A_806, %add3A_812 : vector<16xi32>
    %gather3A_814 = tpu.vector_load_idx %arg13[%add3A_813] : memref<128xf32, #tpu.memory_space<vmem>>[vector<16xi32>], vector<16xf32>,
    %add3A_815 = arith.constant 4 : i32
    %add3A_816 = vector.broadcast %add3A_815 : i32 to vector<16xi32>
    %add3A_817 = arith.addi %mul3A_806, %add3A_816 : vector<16xi32>
    %gather3A_818 = tpu.vector_load_idx %arg13[%add3A_817] : memref<128xf32, #tpu.memory_space<vmem>>[vector<16xi32>], vector<16xf32>,
    %add3A_819 = arith.constant 5 : i32
    %add3A_820 = vector.broadcast %add3A_819 : i32 to vector<16xi32>
    %add3A_821 = arith.addi %mul3A_806, %add3A_820 : vector<16xi32>
    %gather3A_822 = tpu.vector_load_idx %arg13[%add3A_821] : memref<128xf32, #tpu.memory_space<vmem>>[vector<16xi32>], vector<16xf32>,
    %add3A_823 = arith.constant 6 : i32
    %add3A_824 = vector.broadcast %add3A_823 : i32 to vector<16xi32>
    %add3A_825 = arith.addi %mul3A_806, %add3A_824 : vector<16xi32>
    %gather3A_826 = tpu.vector_load_idx %arg13[%add3A_825] : memref<128xf32, #tpu.memory_space<vmem>>[vector<16xi32>], vector<16xf32>,
    %bitcast3A_827 = vector.bitcast %gather3A_826 : vector<16xf32> to vector<16xi32>
    %sub3A_828 = arith.subf %gather3A_818, %gather3A_810 : vector<16xf32>
    %max3A_829 = arith.constant 0.000000e+00 : f32
    %max3A_830 = vector.broadcast %max3A_829 : f32 to vector<16xf32>
    %max3A_831 = arith.maximumf %sub3A_828, %max3A_830 : vector<16xf32>
    %sub3A_832 = arith.subf %gather3A_822, %gather3A_814 : vector<16xf32>
    %max3A_833 = arith.constant 0.000000e+00 : f32
    %max3A_834 = vector.broadcast %max3A_833 : f32 to vector<16xf32>
    %max3A_835 = arith.maximumf %sub3A_832, %max3A_834 : vector<16xf32>
    %mul3A_836 = arith.mulf %max3A_831, %max3A_835 : vector<16xf32>
    %barrier3A_837 = arith.constant 0 : index
    tpu.barrier barrier_id(%barrier3A_837)
    %eq3A_838 = arith.constant 2 : i32
    %eq3A_839 = vector.broadcast %eq3A_838 : i32 to vector<16xi32>
    %eq3A_840 = arith.cmpi eq, %iota3A, %eq3A_839 : vector<16xi32>
    %get3A_841 = arith.constant 0 : index
    %get3A_842 = tpu.vector_load %arg14[%get3A_841] {strides = array<i32>} : memref<16xi32, #tpu.memory_space<vmem>>, vector<16xi32>,
    %select_n3A_843 = arith.select %eq3A_840, %min3A_766, %get3A_842 : vector<16xi1>, vector<16xi32>
    %swap3A_844 = arith.constant 0 : index
    %swap3A_845 = tpu.vector_load %arg14[%swap3A_844] {strides = array<i32>} : memref<16xi32, #tpu.memory_space<vmem>>, vector<16xi32>,
    tpu.vector_store %arg14[%swap3A_844], %select_n3A_843 {strides = array<i32>} : memref<16xi32, #tpu.memory_space<vmem>>, vector<16xi32>,
    %eq3A_846 = arith.constant 0 : i32
    %eq3A_847 = arith.cmpi eq, %and3A_1, %eq3A_846 : i32
    %convert_element_type3A = arith.extui %eq3A_847 : i1 to i32
    %cond3A = arith.constant 0 : i32
    %cond3A_848 = arith.cmpi ne, %convert_element_type3A, %cond3A : i32
    scf.if %cond3A_848 {
      %mul3A_855 = arith.constant 16 : i32
      %mul3A_856 = arith.muli %shift_right_arithmetic3A_0, %mul3A_855 : i32
      "tpu.region"() ({
        %run_scoped3A = tpu.sem_alloc : memref<!tpu.dma_semaphore, #tpu.memory_space<semaphore_mem>>
        %dma_start3A_857 = tpu.memref_slice %arg18[%mul3A_856] : memref<32xi32, #tpu.memory_space<vmem_shared>> -> memref<16xi32, #tpu.memory_space<vmem_shared>>
        %dma_start3A_858 = tpu.memref_slice %arg18[%mul3A_856] : memref<32xi32, #tpu.memory_space<vmem_shared>> -> memref<16xi32, #tpu.memory_space<vmem_shared>>
        tpu.enqueue_dma source(%arg14 : memref<16xi32, #tpu.memory_space<vmem>>) target(%dma_start3A_858 : memref<16xi32, #tpu.memory_space<vmem_shared>>) target_semaphore(%run_scoped3A : memref<!tpu.dma_semaphore, #tpu.memory_space<semaphore_mem>>)
        %dma_wait3A_859 = tpu.memref_slice %arg18[%mul3A_856] : memref<32xi32, #tpu.memory_space<vmem_shared>> -> memref<16xi32, #tpu.memory_space<vmem_shared>>
        %dma_wait3A_860 = tpu.memref_slice %arg18[%mul3A_856] : memref<32xi32, #tpu.memory_space<vmem_shared>> -> memref<16xi32, #tpu.memory_space<vmem_shared>>
        tpu.wait_dma2 semaphore(%run_scoped3A : memref<!tpu.dma_semaphore, #tpu.memory_space<semaphore_mem>>) src(%arg14 : memref<16xi32, #tpu.memory_space<vmem>>) dst(%dma_wait3A_860 : memref<16xi32, #tpu.memory_space<vmem_shared>>)
        tpu.yield
      }) : () -> ()
    } else {
    }
    %barrier3A_849 = arith.constant 0 : index
    tpu.barrier barrier_id(%barrier3A_849)
    %eq3A_850 = arith.constant 0 : i32
    %eq3A_851 = arith.cmpi eq, %arg1, %eq3A_850 : i32
    %convert_element_type3A_852 = arith.extui %eq3A_851 : i1 to i32
    %cond3A_853 = arith.constant 0 : i32
    %cond3A_854 = arith.cmpi ne, %convert_element_type3A_852, %cond3A_853 : i32
    scf.if %cond3A_854 {
      "tpu.region"() ({
        %run_scoped3A = tpu.sem_alloc : memref<!tpu.dma_semaphore, #tpu.memory_space<semaphore_mem>>
        tpu.enqueue_dma source(%arg18 : memref<32xi32, #tpu.memory_space<vmem_shared>>) target(%arg15 : memref<32xi32, #tpu.memory_space<vmem>>) target_semaphore(%run_scoped3A : memref<!tpu.dma_semaphore, #tpu.memory_space<semaphore_mem>>)
        tpu.wait_dma2 semaphore(%run_scoped3A : memref<!tpu.dma_semaphore, #tpu.memory_space<semaphore_mem>>) src(%arg18 : memref<32xi32, #tpu.memory_space<vmem_shared>>) dst(%arg15 : memref<32xi32, #tpu.memory_space<vmem>>)
        tpu.yield
      }) : () -> ()
      %mul3A_855 = arith.constant 21846 : i32
      %mul3A_856 = vector.broadcast %mul3A_855 : i32 to vector<16xi32>
      %mul3A_857 = arith.muli %iota3A, %mul3A_856 : vector<16xi32>
      %shift_right_arithmetic3A_858 = arith.constant 16 : i32
      %shift_right_arithmetic3A_859 = vector.broadcast %shift_right_arithmetic3A_858 : i32 to vector<16xi32>
      %shift_right_arithmetic3A_860 = arith.shrsi %mul3A_857, %shift_right_arithmetic3A_859 : vector<16xi32>
      %mul3A_861 = arith.constant 3 : i32
      %mul3A_862 = vector.broadcast %mul3A_861 : i32 to vector<16xi32>
      %mul3A_863 = arith.muli %shift_right_arithmetic3A_860, %mul3A_862 : vector<16xi32>
      %sub3A_864 = arith.subi %iota3A, %mul3A_863 : vector<16xi32>
      %mul3A_865 = arith.constant 16 : i32
      %mul3A_866 = vector.broadcast %mul3A_865 : i32 to vector<16xi32>
      %mul3A_867 = arith.muli %shift_right_arithmetic3A_860, %mul3A_866 : vector<16xi32>
      %add3A_868 = arith.addi %mul3A_867, %sub3A_864 : vector<16xi32>
      %min3A_869 = arith.constant 31 : i32
      %min3A_870 = vector.broadcast %min3A_869 : i32 to vector<16xi32>
      %min3A_871 = arith.minsi %add3A_868, %min3A_870 : vector<16xi32>
      %gather3A_872 = tpu.vector_load_idx %arg15[%min3A_871] : memref<32xi32, #tpu.memory_space<vmem>>[vector<16xi32>], vector<16xi32>,
      %min3A_873 = arith.constant 1 : i32
      %min3A_874 = vector.broadcast %min3A_873 : i32 to vector<16xi32>
      %min3A_875 = arith.minsi %shift_right_arithmetic3A_860, %min3A_874 : vector<16xi32>
      %lt3A = arith.constant 6 : i32
      %lt3A_876 = vector.broadcast %lt3A : i32 to vector<16xi32>
      %lt3A_877 = arith.cmpi slt, %iota3A, %lt3A_876 : vector<16xi32>
      tpu.vector_store_idx %arg16[%min3A_875, %sub3A_864], %gather3A_872 masked %lt3A_877 : memref<2x3xi32, #tpu.memory_space<vmem>>[vector<16xi32>, vector<16xi32>], vector<16xi32>, vector<16xi1>
      "tpu.region"() ({
        %run_scoped3A = tpu.sem_alloc : memref<!tpu.dma_semaphore, #tpu.memory_space<semaphore_mem>>
        tpu.enqueue_dma source(%arg16 : memref<2x3xi32, #tpu.memory_space<vmem>>) target(%arg5 : memref<2x3xi32, #tpu.memory_space<hbm>>) target_semaphore(%run_scoped3A : memref<!tpu.dma_semaphore, #tpu.memory_space<semaphore_mem>>)
        tpu.wait_dma2 semaphore(%run_scoped3A : memref<!tpu.dma_semaphore, #tpu.memory_space<semaphore_mem>>) src(%arg16 : memref<2x3xi32, #tpu.memory_space<vmem>>) dst(%arg5 : memref<2x3xi32, #tpu.memory_space<hbm>>)
        tpu.yield
      }) : () -> ()
    } else {
    }
    return
  }
}

module attributes {stable_mosaic.version = 14 : i64} {
  func.func @_tc_body(%arg0: memref<8x5120xf32, #tpu.memory_space<vmem>>, %arg1: memref<4x8x5120xf32, #tpu.memory_space<vmem>>, %arg2: memref<8x5120xi32, #tpu.memory_space<vmem>>, %arg3: memref<6x3xi32, #tpu.memory_space<vmem>>) attributes {dimension_semantics = [], scalar_prefetch = 0 : i64, scratch_operands = 0 : i64, tpu.core_type = #tpu.core_type<tc>} {
    %get3A = arith.constant 0 : index
    %get3A_0 = arith.constant 0 : index
    %get3A_1 = vector.load %arg0[%get3A, %get3A_0] : memref<8x5120xf32, #tpu.memory_space<vmem>>, vector<6x5120xf32>
    %get3A_2 = arith.constant 0 : index
    %get3A_3 = arith.constant 0 : index
    %get3A_4 = arith.constant 0 : index
    %get3A_5 = vector.load %arg1[%get3A_2, %get3A_3, %get3A_4] : memref<4x8x5120xf32, #tpu.memory_space<vmem>>, vector<1x6x5120xf32>
    %get3A_6 = vector.shape_cast %get3A_5 : vector<1x6x5120xf32> to vector<6x5120xf32>
    %get3A_7 = arith.constant 1 : index
    %get3A_8 = arith.constant 0 : index
    %get3A_9 = arith.constant 0 : index
    %get3A_10 = vector.load %arg1[%get3A_7, %get3A_8, %get3A_9] : memref<4x8x5120xf32, #tpu.memory_space<vmem>>, vector<1x6x5120xf32>
    %get3A_11 = vector.shape_cast %get3A_10 : vector<1x6x5120xf32> to vector<6x5120xf32>
    %get3A_12 = arith.constant 2 : index
    %get3A_13 = arith.constant 0 : index
    %get3A_14 = arith.constant 0 : index
    %get3A_15 = vector.load %arg1[%get3A_12, %get3A_13, %get3A_14] : memref<4x8x5120xf32, #tpu.memory_space<vmem>>, vector<1x6x5120xf32>
    %get3A_16 = vector.shape_cast %get3A_15 : vector<1x6x5120xf32> to vector<6x5120xf32>
    %get3A_17 = arith.constant 3 : index
    %get3A_18 = arith.constant 0 : index
    %get3A_19 = arith.constant 0 : index
    %get3A_20 = vector.load %arg1[%get3A_17, %get3A_18, %get3A_19] : memref<4x8x5120xf32, #tpu.memory_space<vmem>>, vector<1x6x5120xf32>
    %get3A_21 = vector.shape_cast %get3A_20 : vector<1x6x5120xf32> to vector<6x5120xf32>
    %get3A_22 = arith.constant 0 : index
    %get3A_23 = arith.constant 0 : index
    %get3A_24 = vector.load %arg2[%get3A_22, %get3A_23] : memref<8x5120xi32, #tpu.memory_space<vmem>>, vector<6x5120xi32>
    %iota3A = tpu.iota {dimensions = array<i32: 1>} : vector<6x5120xi32>
    %reduce_max3A = arith.constant dense<0xFF800000> : vector<6xf32>
    %reduce_max3A_25 = vector.multi_reduction <maximumf>, %get3A_1, %reduce_max3A [1] : vector<6x5120xf32> to vector<6xf32>
    %broadcast_in_dim3A = vector.shape_cast %reduce_max3A_25 : vector<6xf32> to vector<6x1xf32>
    %eq3A = vector.broadcast %broadcast_in_dim3A : vector<6x1xf32> to vector<6x5120xf32>
    %eq3A_26 = arith.cmpf oeq, %get3A_1, %eq3A : vector<6x5120xf32>
    %jit3A = arith.constant 2147483647 : i32
    %broadcast_in_dim3A_27 = vector.broadcast %jit3A : i32 to vector<6x5120xi32>
    %select_n3A = arith.select %eq3A_26, %iota3A, %broadcast_in_dim3A_27 : vector<6x5120xi1>, vector<6x5120xi32>
    %reduce_min3A = arith.constant dense<2147483647> : vector<6xi32>
    %reduce_min3A_28 = vector.multi_reduction <minsi>, %select_n3A, %reduce_min3A [1] : vector<6x5120xi32> to vector<6xi32>
    %broadcast_in_dim3A_29 = vector.shape_cast %reduce_min3A_28 : vector<6xi32> to vector<6x1xi32>
    %eq3A_30 = vector.broadcast %broadcast_in_dim3A_29 : vector<6x1xi32> to vector<6x5120xi32>
    %eq3A_31 = arith.cmpi eq, %iota3A, %eq3A_30 : vector<6x5120xi32>
    %jit3A_32 = arith.constant 0.000000e+00 : f32
    %broadcast_in_dim3A_33 = vector.broadcast %jit3A_32 : f32 to vector<6x5120xf32>
    %select_n3A_34 = arith.select %eq3A_31, %get3A_6, %broadcast_in_dim3A_33 : vector<6x5120xi1>, vector<6x5120xf32>
    %reduce_sum3A = arith.constant dense<0.000000e+00> : vector<6xf32>
    %reduce_sum3A_35 = vector.multi_reduction <add>, %select_n3A_34, %reduce_sum3A [1] : vector<6x5120xf32> to vector<6xf32>
    %broadcast_in_dim3A_36 = vector.shape_cast %reduce_sum3A_35 : vector<6xf32> to vector<6x1xf32>
    %jit3A_37 = arith.constant 0.000000e+00 : f32
    %broadcast_in_dim3A_38 = vector.broadcast %jit3A_37 : f32 to vector<6x5120xf32>
    %select_n3A_39 = arith.select %eq3A_31, %get3A_11, %broadcast_in_dim3A_38 : vector<6x5120xi1>, vector<6x5120xf32>
    %reduce_sum3A_40 = arith.constant dense<0.000000e+00> : vector<6xf32>
    %reduce_sum3A_41 = vector.multi_reduction <add>, %select_n3A_39, %reduce_sum3A_40 [1] : vector<6x5120xf32> to vector<6xf32>
    %broadcast_in_dim3A_42 = vector.shape_cast %reduce_sum3A_41 : vector<6xf32> to vector<6x1xf32>
    %jit3A_43 = arith.constant 0.000000e+00 : f32
    %broadcast_in_dim3A_44 = vector.broadcast %jit3A_43 : f32 to vector<6x5120xf32>
    %select_n3A_45 = arith.select %eq3A_31, %get3A_16, %broadcast_in_dim3A_44 : vector<6x5120xi1>, vector<6x5120xf32>
    %reduce_sum3A_46 = arith.constant dense<0.000000e+00> : vector<6xf32>
    %reduce_sum3A_47 = vector.multi_reduction <add>, %select_n3A_45, %reduce_sum3A_46 [1] : vector<6x5120xf32> to vector<6xf32>
    %broadcast_in_dim3A_48 = vector.shape_cast %reduce_sum3A_47 : vector<6xf32> to vector<6x1xf32>
    %jit3A_49 = arith.constant 0.000000e+00 : f32
    %broadcast_in_dim3A_50 = vector.broadcast %jit3A_49 : f32 to vector<6x5120xf32>
    %select_n3A_51 = arith.select %eq3A_31, %get3A_21, %broadcast_in_dim3A_50 : vector<6x5120xi1>, vector<6x5120xf32>
    %reduce_sum3A_52 = arith.constant dense<0.000000e+00> : vector<6xf32>
    %reduce_sum3A_53 = vector.multi_reduction <add>, %select_n3A_51, %reduce_sum3A_52 [1] : vector<6x5120xf32> to vector<6xf32>
    %broadcast_in_dim3A_54 = vector.shape_cast %reduce_sum3A_53 : vector<6xf32> to vector<6x1xf32>
    %jit3A_55 = arith.constant 0 : i32
    %broadcast_in_dim3A_56 = vector.broadcast %jit3A_55 : i32 to vector<6x5120xi32>
    %select_n3A_57 = arith.select %eq3A_31, %get3A_24, %broadcast_in_dim3A_56 : vector<6x5120xi1>, vector<6x5120xi32>
    %reduce_sum3A_58 = arith.constant dense<0> : vector<6xi32>
    %reduce_sum3A_59 = vector.multi_reduction <add>, %select_n3A_57, %reduce_sum3A_58 [1] : vector<6x5120xi32> to vector<6xi32>
    %broadcast_in_dim3A_60 = vector.shape_cast %reduce_sum3A_59 : vector<6xi32> to vector<6x1xi32>
    %max3A = vector.broadcast %broadcast_in_dim3A_36 : vector<6x1xf32> to vector<6x5120xf32>
    %max3A_61 = arith.maximumf %max3A, %get3A_6 : vector<6x5120xf32>
    %max3A_62 = vector.broadcast %broadcast_in_dim3A_42 : vector<6x1xf32> to vector<6x5120xf32>
    %max3A_63 = arith.maximumf %max3A_62, %get3A_11 : vector<6x5120xf32>
    %min3A = vector.broadcast %broadcast_in_dim3A_48 : vector<6x1xf32> to vector<6x5120xf32>
    %min3A_64 = arith.minimumf %min3A, %get3A_16 : vector<6x5120xf32>
    %min3A_65 = vector.broadcast %broadcast_in_dim3A_54 : vector<6x1xf32> to vector<6x5120xf32>
    %min3A_66 = arith.minimumf %min3A_65, %get3A_21 : vector<6x5120xf32>
    %sub3A = arith.subf %min3A_64, %max3A_61 : vector<6x5120xf32>
    %max3A_67 = arith.constant 0.000000e+00 : f32
    %max3A_68 = vector.broadcast %max3A_67 : f32 to vector<6x5120xf32>
    %max3A_69 = arith.maximumf %sub3A, %max3A_68 : vector<6x5120xf32>
    %sub3A_70 = arith.subf %min3A_66, %max3A_63 : vector<6x5120xf32>
    %max3A_71 = arith.constant 0.000000e+00 : f32
    %max3A_72 = vector.broadcast %max3A_71 : f32 to vector<6x5120xf32>
    %max3A_73 = arith.maximumf %sub3A_70, %max3A_72 : vector<6x5120xf32>
    %mul3A = arith.mulf %max3A_69, %max3A_73 : vector<6x5120xf32>
    %sub3A_74 = arith.subf %broadcast_in_dim3A_48, %broadcast_in_dim3A_36 : vector<6x1xf32>
    %max3A_75 = arith.constant 0.000000e+00 : f32
    %max3A_76 = vector.broadcast %max3A_75 : f32 to vector<6x1xf32>
    %max3A_77 = arith.maximumf %sub3A_74, %max3A_76 : vector<6x1xf32>
    %sub3A_78 = arith.subf %broadcast_in_dim3A_54, %broadcast_in_dim3A_42 : vector<6x1xf32>
    %max3A_79 = arith.constant 0.000000e+00 : f32
    %max3A_80 = vector.broadcast %max3A_79 : f32 to vector<6x1xf32>
    %max3A_81 = arith.maximumf %sub3A_78, %max3A_80 : vector<6x1xf32>
    %mul3A_82 = arith.mulf %max3A_77, %max3A_81 : vector<6x1xf32>
    %sub3A_83 = arith.subf %get3A_16, %get3A_6 : vector<6x5120xf32>
    %max3A_84 = arith.constant 0.000000e+00 : f32
    %max3A_85 = vector.broadcast %max3A_84 : f32 to vector<6x5120xf32>
    %max3A_86 = arith.maximumf %sub3A_83, %max3A_85 : vector<6x5120xf32>
    %sub3A_87 = arith.subf %get3A_21, %get3A_11 : vector<6x5120xf32>
    %max3A_88 = arith.constant 0.000000e+00 : f32
    %max3A_89 = vector.broadcast %max3A_88 : f32 to vector<6x5120xf32>
    %max3A_90 = arith.maximumf %sub3A_87, %max3A_89 : vector<6x5120xf32>
    %mul3A_91 = arith.mulf %max3A_86, %max3A_90 : vector<6x5120xf32>
    %add3A = vector.broadcast %mul3A_82 : vector<6x1xf32> to vector<6x5120xf32>
    %add3A_92 = arith.addf %add3A, %mul3A_91 : vector<6x5120xf32>
    %sub3A_93 = arith.subf %add3A_92, %mul3A : vector<6x5120xf32>
    %max3A_94 = arith.constant 9.99999971E-10 : f32
    %max3A_95 = vector.broadcast %max3A_94 : f32 to vector<6x5120xf32>
    %max3A_96 = arith.maximumf %sub3A_93, %max3A_95 : vector<6x5120xf32>
    %div3A = arith.divf %mul3A, %max3A_96 : vector<6x5120xf32>
    %gt3A = arith.constant 5.000000e-01 : f32
    %gt3A_97 = vector.broadcast %gt3A : f32 to vector<6x5120xf32>
    %gt3A_98 = arith.cmpf ogt, %div3A, %gt3A_97 : vector<6x5120xf32>
    %eq3A_99 = vector.broadcast %broadcast_in_dim3A_60 : vector<6x1xi32> to vector<6x5120xi32>
    %eq3A_100 = arith.cmpi eq, %get3A_24, %eq3A_99 : vector<6x5120xi32>
    %and3A = arith.andi %gt3A_98, %eq3A_100 : vector<6x5120xi1>
    %jit3A_101 = arith.constant 0xFF800000 : f32
    %broadcast_in_dim3A_102 = vector.broadcast %jit3A_101 : f32 to vector<6x5120xf32>
    %select_n3A_103 = arith.select %and3A, %broadcast_in_dim3A_102, %get3A_1 : vector<6x5120xi1>, vector<6x5120xf32>
    %reduce_max3A_104 = arith.constant dense<0xFF800000> : vector<6xf32>
    %reduce_max3A_105 = vector.multi_reduction <maximumf>, %select_n3A_103, %reduce_max3A_104 [1] : vector<6x5120xf32> to vector<6xf32>
    %broadcast_in_dim3A_106 = vector.shape_cast %reduce_max3A_105 : vector<6xf32> to vector<6x1xf32>
    %eq3A_107 = vector.broadcast %broadcast_in_dim3A_106 : vector<6x1xf32> to vector<6x5120xf32>
    %eq3A_108 = arith.cmpf oeq, %select_n3A_103, %eq3A_107 : vector<6x5120xf32>
    %jit3A_109 = arith.constant 2147483647 : i32
    %broadcast_in_dim3A_110 = vector.broadcast %jit3A_109 : i32 to vector<6x5120xi32>
    %select_n3A_111 = arith.select %eq3A_108, %iota3A, %broadcast_in_dim3A_110 : vector<6x5120xi1>, vector<6x5120xi32>
    %reduce_min3A_112 = arith.constant dense<2147483647> : vector<6xi32>
    %reduce_min3A_113 = vector.multi_reduction <minsi>, %select_n3A_111, %reduce_min3A_112 [1] : vector<6x5120xi32> to vector<6xi32>
    %broadcast_in_dim3A_114 = vector.shape_cast %reduce_min3A_113 : vector<6xi32> to vector<6x1xi32>
    %eq3A_115 = vector.broadcast %broadcast_in_dim3A_114 : vector<6x1xi32> to vector<6x5120xi32>
    %eq3A_116 = arith.cmpi eq, %iota3A, %eq3A_115 : vector<6x5120xi32>
    %jit3A_117 = arith.constant 0.000000e+00 : f32
    %broadcast_in_dim3A_118 = vector.broadcast %jit3A_117 : f32 to vector<6x5120xf32>
    %select_n3A_119 = arith.select %eq3A_116, %get3A_6, %broadcast_in_dim3A_118 : vector<6x5120xi1>, vector<6x5120xf32>
    %reduce_sum3A_120 = arith.constant dense<0.000000e+00> : vector<6xf32>
    %reduce_sum3A_121 = vector.multi_reduction <add>, %select_n3A_119, %reduce_sum3A_120 [1] : vector<6x5120xf32> to vector<6xf32>
    %broadcast_in_dim3A_122 = vector.shape_cast %reduce_sum3A_121 : vector<6xf32> to vector<6x1xf32>
    %jit3A_123 = arith.constant 0.000000e+00 : f32
    %broadcast_in_dim3A_124 = vector.broadcast %jit3A_123 : f32 to vector<6x5120xf32>
    %select_n3A_125 = arith.select %eq3A_116, %get3A_11, %broadcast_in_dim3A_124 : vector<6x5120xi1>, vector<6x5120xf32>
    %reduce_sum3A_126 = arith.constant dense<0.000000e+00> : vector<6xf32>
    %reduce_sum3A_127 = vector.multi_reduction <add>, %select_n3A_125, %reduce_sum3A_126 [1] : vector<6x5120xf32> to vector<6xf32>
    %broadcast_in_dim3A_128 = vector.shape_cast %reduce_sum3A_127 : vector<6xf32> to vector<6x1xf32>
    %jit3A_129 = arith.constant 0.000000e+00 : f32
    %broadcast_in_dim3A_130 = vector.broadcast %jit3A_129 : f32 to vector<6x5120xf32>
    %select_n3A_131 = arith.select %eq3A_116, %get3A_16, %broadcast_in_dim3A_130 : vector<6x5120xi1>, vector<6x5120xf32>
    %reduce_sum3A_132 = arith.constant dense<0.000000e+00> : vector<6xf32>
    %reduce_sum3A_133 = vector.multi_reduction <add>, %select_n3A_131, %reduce_sum3A_132 [1] : vector<6x5120xf32> to vector<6xf32>
    %broadcast_in_dim3A_134 = vector.shape_cast %reduce_sum3A_133 : vector<6xf32> to vector<6x1xf32>
    %jit3A_135 = arith.constant 0.000000e+00 : f32
    %broadcast_in_dim3A_136 = vector.broadcast %jit3A_135 : f32 to vector<6x5120xf32>
    %select_n3A_137 = arith.select %eq3A_116, %get3A_21, %broadcast_in_dim3A_136 : vector<6x5120xi1>, vector<6x5120xf32>
    %reduce_sum3A_138 = arith.constant dense<0.000000e+00> : vector<6xf32>
    %reduce_sum3A_139 = vector.multi_reduction <add>, %select_n3A_137, %reduce_sum3A_138 [1] : vector<6x5120xf32> to vector<6xf32>
    %broadcast_in_dim3A_140 = vector.shape_cast %reduce_sum3A_139 : vector<6xf32> to vector<6x1xf32>
    %jit3A_141 = arith.constant 0 : i32
    %broadcast_in_dim3A_142 = vector.broadcast %jit3A_141 : i32 to vector<6x5120xi32>
    %select_n3A_143 = arith.select %eq3A_116, %get3A_24, %broadcast_in_dim3A_142 : vector<6x5120xi1>, vector<6x5120xi32>
    %reduce_sum3A_144 = arith.constant dense<0> : vector<6xi32>
    %reduce_sum3A_145 = vector.multi_reduction <add>, %select_n3A_143, %reduce_sum3A_144 [1] : vector<6x5120xi32> to vector<6xi32>
    %broadcast_in_dim3A_146 = vector.shape_cast %reduce_sum3A_145 : vector<6xi32> to vector<6x1xi32>
    %max3A_147 = vector.broadcast %broadcast_in_dim3A_122 : vector<6x1xf32> to vector<6x5120xf32>
    %max3A_148 = arith.maximumf %max3A_147, %get3A_6 : vector<6x5120xf32>
    %max3A_149 = vector.broadcast %broadcast_in_dim3A_128 : vector<6x1xf32> to vector<6x5120xf32>
    %max3A_150 = arith.maximumf %max3A_149, %get3A_11 : vector<6x5120xf32>
    %min3A_151 = vector.broadcast %broadcast_in_dim3A_134 : vector<6x1xf32> to vector<6x5120xf32>
    %min3A_152 = arith.minimumf %min3A_151, %get3A_16 : vector<6x5120xf32>
    %min3A_153 = vector.broadcast %broadcast_in_dim3A_140 : vector<6x1xf32> to vector<6x5120xf32>
    %min3A_154 = arith.minimumf %min3A_153, %get3A_21 : vector<6x5120xf32>
    %sub3A_155 = arith.subf %min3A_152, %max3A_148 : vector<6x5120xf32>
    %max3A_156 = arith.constant 0.000000e+00 : f32
    %max3A_157 = vector.broadcast %max3A_156 : f32 to vector<6x5120xf32>
    %max3A_158 = arith.maximumf %sub3A_155, %max3A_157 : vector<6x5120xf32>
    %sub3A_159 = arith.subf %min3A_154, %max3A_150 : vector<6x5120xf32>
    %max3A_160 = arith.constant 0.000000e+00 : f32
    %max3A_161 = vector.broadcast %max3A_160 : f32 to vector<6x5120xf32>
    %max3A_162 = arith.maximumf %sub3A_159, %max3A_161 : vector<6x5120xf32>
    %mul3A_163 = arith.mulf %max3A_158, %max3A_162 : vector<6x5120xf32>
    %sub3A_164 = arith.subf %broadcast_in_dim3A_134, %broadcast_in_dim3A_122 : vector<6x1xf32>
    %max3A_165 = arith.constant 0.000000e+00 : f32
    %max3A_166 = vector.broadcast %max3A_165 : f32 to vector<6x1xf32>
    %max3A_167 = arith.maximumf %sub3A_164, %max3A_166 : vector<6x1xf32>
    %sub3A_168 = arith.subf %broadcast_in_dim3A_140, %broadcast_in_dim3A_128 : vector<6x1xf32>
    %max3A_169 = arith.constant 0.000000e+00 : f32
    %max3A_170 = vector.broadcast %max3A_169 : f32 to vector<6x1xf32>
    %max3A_171 = arith.maximumf %sub3A_168, %max3A_170 : vector<6x1xf32>
    %mul3A_172 = arith.mulf %max3A_167, %max3A_171 : vector<6x1xf32>
    %sub3A_173 = arith.subf %get3A_16, %get3A_6 : vector<6x5120xf32>
    %max3A_174 = arith.constant 0.000000e+00 : f32
    %max3A_175 = vector.broadcast %max3A_174 : f32 to vector<6x5120xf32>
    %max3A_176 = arith.maximumf %sub3A_173, %max3A_175 : vector<6x5120xf32>
    %sub3A_177 = arith.subf %get3A_21, %get3A_11 : vector<6x5120xf32>
    %max3A_178 = arith.constant 0.000000e+00 : f32
    %max3A_179 = vector.broadcast %max3A_178 : f32 to vector<6x5120xf32>
    %max3A_180 = arith.maximumf %sub3A_177, %max3A_179 : vector<6x5120xf32>
    %mul3A_181 = arith.mulf %max3A_176, %max3A_180 : vector<6x5120xf32>
    %add3A_182 = vector.broadcast %mul3A_172 : vector<6x1xf32> to vector<6x5120xf32>
    %add3A_183 = arith.addf %add3A_182, %mul3A_181 : vector<6x5120xf32>
    %sub3A_184 = arith.subf %add3A_183, %mul3A_163 : vector<6x5120xf32>
    %max3A_185 = arith.constant 9.99999971E-10 : f32
    %max3A_186 = vector.broadcast %max3A_185 : f32 to vector<6x5120xf32>
    %max3A_187 = arith.maximumf %sub3A_184, %max3A_186 : vector<6x5120xf32>
    %div3A_188 = arith.divf %mul3A_163, %max3A_187 : vector<6x5120xf32>
    %gt3A_189 = arith.constant 5.000000e-01 : f32
    %gt3A_190 = vector.broadcast %gt3A_189 : f32 to vector<6x5120xf32>
    %gt3A_191 = arith.cmpf ogt, %div3A_188, %gt3A_190 : vector<6x5120xf32>
    %eq3A_192 = vector.broadcast %broadcast_in_dim3A_146 : vector<6x1xi32> to vector<6x5120xi32>
    %eq3A_193 = arith.cmpi eq, %get3A_24, %eq3A_192 : vector<6x5120xi32>
    %and3A_194 = arith.andi %gt3A_191, %eq3A_193 : vector<6x5120xi1>
    %jit3A_195 = arith.constant 0xFF800000 : f32
    %broadcast_in_dim3A_196 = vector.broadcast %jit3A_195 : f32 to vector<6x5120xf32>
    %select_n3A_197 = arith.select %and3A_194, %broadcast_in_dim3A_196, %select_n3A_103 : vector<6x5120xi1>, vector<6x5120xf32>
    %reduce_max3A_198 = arith.constant dense<0xFF800000> : vector<6xf32>
    %reduce_max3A_199 = vector.multi_reduction <maximumf>, %select_n3A_197, %reduce_max3A_198 [1] : vector<6x5120xf32> to vector<6xf32>
    %broadcast_in_dim3A_200 = vector.shape_cast %reduce_max3A_199 : vector<6xf32> to vector<6x1xf32>
    %eq3A_201 = vector.broadcast %broadcast_in_dim3A_200 : vector<6x1xf32> to vector<6x5120xf32>
    %eq3A_202 = arith.cmpf oeq, %select_n3A_197, %eq3A_201 : vector<6x5120xf32>
    %jit3A_203 = arith.constant 2147483647 : i32
    %broadcast_in_dim3A_204 = vector.broadcast %jit3A_203 : i32 to vector<6x5120xi32>
    %select_n3A_205 = arith.select %eq3A_202, %iota3A, %broadcast_in_dim3A_204 : vector<6x5120xi1>, vector<6x5120xi32>
    %reduce_min3A_206 = arith.constant dense<2147483647> : vector<6xi32>
    %reduce_min3A_207 = vector.multi_reduction <minsi>, %select_n3A_205, %reduce_min3A_206 [1] : vector<6x5120xi32> to vector<6xi32>
    %broadcast_in_dim3A_208 = vector.shape_cast %reduce_min3A_207 : vector<6xi32> to vector<6x1xi32>
    %concatenate3A = tpu.concatenate %broadcast_in_dim3A_29, %broadcast_in_dim3A_114, %broadcast_in_dim3A_208 in 1 : vector<6x1xi32>, vector<6x1xi32>, vector<6x1xi32> -> vector<6x3xi32>
    %swap3A = arith.constant 0 : index
    %swap3A_209 = arith.constant 0 : index
    %swap3A_210 = vector.load %arg3[%swap3A, %swap3A_209] : memref<6x3xi32, #tpu.memory_space<vmem>>, vector<6x3xi32>
    tpu.vector_store %arg3[%swap3A, %swap3A_209], %concatenate3A {strides = array<i32>} : memref<6x3xi32, #tpu.memory_space<vmem>>, vector<6x3xi32>,
    return
  }
}

</mosaic_0001>

<sc_bundles>
// kernel: _nms.4.cloned.1.call-start
scs
__scs_entry_jumppad:
0x0: {  	(pc) =	sbr.rel $0x88, $3  }
0x1: {  	(tag) =	ssettag $0x0;
	lr =	simm.s32 $0x1  }
0x2: {  	[smem:$0x3F9E] =	sst lr;
	_ =	strace $0xD0000000  }
0x3: {  	_ = 	snop  }
0x4: {  	_ = 	snop  }
0x5: {  	_ = 	snop  }
0x6: {  	_ = 	snop  }
0x7: {  	_ = 	snop  }
__scs_overlays_trampoline_lowered:
0x8: {  	[smem:$0x3FAD] =	sst s0  }
0x9: {  	[smem:$0x3FAE] =	sst s1  }
0xa: {  	[smem:$0x3FAF] =	sst s2  }
0xb: {  	[smem:$0x3FB0] =	sst s3  }
0xc: {  	[smem:$0x3FB1] =	sst s4  }
0xd: {  	[smem:$0x3FB2] =	sst s5  }
0xe: {  	[smem:$0x3FB3] =	sst s6  }
0xf: {  	[smem:$0x3FB4] =	sst s7  }
0x10: {  	[smem:$0x3FB5] =	sst s8  }
0x11: {  	[smem:$0x3FB6] =	sst s9;
	s0 =	simm.s32 @!p0 $0x0  }
0x12: {  	s1 =	sld [smem:$0x3F9C];
	s0 =	simm.s32 @p0 $0x1  }
0x13: {  	[smem:$0x3FB7] =	sst s0;
	s0 =	simm.s32 @!p1 $0x0  }
0x14: {  	s2 =	sld [smem:$0x3F9B];
	s0 =	simm.s32 @p1 $0x1  }
0x15: {  	[smem:$0x3FB8] =	sst s0;
	s0 =	simm.s32 @!p2 $0x0  }
0x16: {  	s3 =	sld [smem:$0x3FDB];
	s0 =	simm.s32 @p2 $0x1  }
0x17: {  	s4 =	simm.s32 $0x1BF5;
	[smem:$0x3FBA] =	sst s0  }
0x18: {  	s0 =	sld [smem:$0x3F9D];
	_ =	swait.ge [sflag:s4], $0x0  }
0x19: {  	s7 =	sld [smem:$0x3F9E]  }
0x1a: {  	s8 =	sadd.s32 $0xFFFFE003, lr  }
0x1b: {  	s9 =	sadd.s32 $0xFFFFFEF7, lr;
	s5 =	simm.s32 $0xFFFFFFFF;
	p2 =	slt.u32 s8, $0xFFFFF086  }
0x1c: {  	p1 =	slt.u32 s9, $0xF7A;
	s5 =	simm.s32 @!p2 $0x0  }
0x1d: {  	s5 =	simm.s32 @p1 $0x1;
	p0 =	seq.s32 s7, s2  }
0x1e: {  	s7 =	smul.u32 @!p0 $0xF7A, s2;
	p2 =	seq.s32 @!p0 s5, $0x0  }
0x1f: {  	s9 =	smul.u32 $0xF7A, s1;
	s8 =	simm.s32 @!p0 $0x1BF5;
	p2 =	por !p2, p0  }
0x20: {  	[sflag:s8] =	ssyncset.s32 @!p0 $0xFFFFF086;
	s6 =	sadd.s32 @!p0 s3, s7;
	s7 =	simm.s32 @!p0 $0x108  }
0x21: {  	s3 =	sadd.s32 s3, s9;
	s6 =	sadd.s32 @!p0 $0x88, s6;
	s7 =	simm.s32 @p2 $0x1082  }
0x22: {  	[simem:s7], [sflag:s8] =	dma.local @!p0 [hbm:s6], $0xF7A  }
0x23: {  	s9 =	sor.u32 $0xD0000000, s2;
	s6 =	simm.s32 $0x108;
	_ =	swait.ge @!p0 [sflag:s8], $0x0  }
0x24: {  	s3 =	sadd.s32 $0x88, s3;
	s6 =	simm.s32 @!p1 $0x1082;
	[sflag:s4] =	ssyncset.s32 $0xFFFFF086  }
0x25: {  	[simem:s6], [sflag:s4] =	dma.local [hbm:s3], $0xF7A  }
0x26: {  	[smem:$0x3F9E] =	sst s1;
	(tag) =	ssettag s2;
	_ =	strace s9  }
0x27: {  	s1 =	sld [smem:$0x3FAE]  }
0x28: {  	s2 =	sld [smem:$0x3FAF]  }
0x29: {  	s4 =	sld [smem:$0x3FB1]  }
0x2a: {  	p0 =	seq.s32 s5, $0x0;
	s5 =	sld [smem:$0x3FB2]  }
0x2b: {  	s6 =	sld [smem:$0x3FB3]  }
0x2c: {  	s7 =	sld [smem:$0x3FB4]  }
0x2d: {  	s3 =	simm.s32 $0x108;
	s8 =	sld [smem:$0x3FB5]  }
0x2e: {  	s3 =	simm.s32 @!p0 $0x1082;
	s9 =	sld [smem:$0x3FB6]  }
0x2f: {  	lr =	sadd.s32 s0, s3;
	s0 =	sld [smem:$0x3FAD]  }
0x30: {  	s3 =	sld [smem:$0x3FB0]  }
0x31: {  	[smem:$0x3FB9] =	sst s10  }
0x32: {  	s10 =	sld [smem:$0x3FB7];
	_ =	sdelay $0x3  }
0x33: {  	p0 =	seq.s32 s10, $0x1;
	s10 =	sld [smem:$0x3FB9];
	_ =	sdelay $0x3  }
0x34: {  	[smem:$0x3FB9] =	sst s10  }
0x35: {  	s10 =	sld [smem:$0x3FB8];
	_ =	sdelay $0x3  }
0x36: {  	p1 =	seq.s32 s10, $0x1;
	s10 =	sld [smem:$0x3FB9];
	_ =	sdelay $0x3  }
0x37: {  	[smem:$0x3FB9] =	sst s10  }
0x38: {  	s10 =	sld [smem:$0x3FBA]  }
0x39: {  	_ = 	snop;
	(pc) =	sbr.ind lr, $3  }
0x3a: {  	_ = 	snop  }
0x3b: {  	_ = 	snop  }
0x3c: {  	p2 =	seq.s32 s10, $0x1;
	s10 =	sld [smem:$0x3FB9]  }
0x3d: {  	_ =	shalt  }
0x3e: {  	_ =	shalt  }
0x3f: {  	_ =	shalt  }
0x40: {  	_ =	shalt  }
0x41: {  	_ =	shalt  }
0x42: {  	_ =	shalt  }
0x43: {  	_ =	shalt  }
0x44: {  	_ =	shalt  }
0x45: {  	_ =	shalt  }
0x46: {  	_ =	shalt  }
0x47: {  	_ =	shalt  }
0x48: {  	_ =	shalt  }
0x49: {  	_ =	shalt  }
0x4a: {  	_ =	shalt  }
0x4b: {  	_ =	shalt  }
0x4c: {  	_ =	shalt  }
0x4d: {  	_ =	shalt  }
0x4e: {  	_ =	shalt  }
0x4f: {  	_ =	shalt  }
0x50: {  	_ =	shalt  }
0x51: {  	_ =	shalt  }
0x52: {  	_ =	shalt  }
0x53: {  	_ =	shalt  }
0x54: {  	_ =	shalt  }
0x55: {  	_ =	shalt  }
0x56: {  	_ =	shalt  }
0x57: {  	_ =	shalt  }
0x58: {  	_ =	shalt  }
0x59: {  	_ =	shalt  }
0x5a: {  	_ =	shalt  }
0x5b: {  	_ =	shalt  }
0x5c: {  	_ =	shalt  }
0x5d: {  	_ =	shalt  }
0x5e: {  	_ =	shalt  }
0x5f: {  	_ =	shalt  }
0x60: {  	_ =	shalt  }
0x61: {  	_ =	shalt  }
0x62: {  	_ =	shalt  }
0x63: {  	_ =	shalt  }
0x64: {  	_ =	shalt  }
0x65: {  	_ =	shalt  }
0x66: {  	_ =	shalt  }
0x67: {  	_ =	shalt  }
0x68: {  	_ =	shalt  }
0x69: {  	_ =	shalt  }
0x6a: {  	_ =	shalt  }
0x6b: {  	_ =	shalt  }
0x6c: {  	_ =	shalt  }
0x6d: {  	_ =	shalt  }
0x6e: {  	_ =	shalt  }
0x6f: {  	_ =	shalt  }
0x70: {  	_ =	shalt  }
0x71: {  	_ =	shalt  }
0x72: {  	_ =	shalt  }
0x73: {  	_ =	shalt  }
0x74: {  	_ =	shalt  }
0x75: {  	_ =	shalt  }
0x76: {  	_ =	shalt  }
0x77: {  	_ =	shalt  }
0x78: {  	_ =	shalt  }
0x79: {  	_ =	shalt  }
0x7a: {  	_ =	shalt  }
0x7b: {  	_ =	shalt  }
0x7c: {  	_ =	shalt  }
0x7d: {  	_ =	shalt  }
0x7e: {  	_ =	shalt  }
0x7f: {  	_ =	shalt  }
0x80: {  	_ =	shalt  }
0x81: {  	_ =	shalt  }
0x82: {  	_ =	shalt  }
0x83: {  	_ =	shalt  }
0x84: {  	_ =	shalt  }
0x85: {  	_ =	shalt  }
0x86: {  	_ =	shalt  }
0x87: {  	_ =	shalt  }
.Lfunc_end0:
.L_simem_size_0:
called_computation_lowered:
.L_overlay_start_0:
0x88: {  	s0 =	sld [smem:$0x3FD9]  }
0x89: {  	s1 =	sld [smem:$0x3FFE];
	_ =	sdelay $0x3  }
0x8a: {  	s0 =	sadd.s32 s1, s0  }
0x8b: {  	[smem:$0x3FC5] =	sst s0  }
0x8c: {  	_ = 	snop  }
0x8d: {  	s0 =	sld [smem:$0x3FD0];
	(tm) =	ssettm $0x1  }
0x8e: {  	s16 =	sld [smem:$0x3FFB];
	_ =	sdelay $0x3  }
0x8f: {  	_ =	strace s16  }
0x90: {  	s1 =	sld [smem:$0x3FFC];
	_ =	sdelay $0x3  }
0x91: {  	_ =	strace s1  }
0x92: {  	s1 =	sld [smem:$0x3FFD];
	_ =	sdelay $0x3  }
0x93: {  	_ =	strace s1  }
0x94: {  	_ =	strace $0x8FFFFFFF  }
0x95: {  	s17 =	sld [smem:$0x3FDB];
	_ =	sdelay $0x1  }
0x96: {  	s2 =	simm.s32 $_scs_section_size  }
0x97: {  	s3 =	simm.s32 $_size__tile_overlayer_lowered;
	s4 =	simm.s32 $_tile_overlayer_lowered  }
0x98: {  	s20 =	simm.s32 $0x1BFF;
	s19 =	sshll.u32 s4, $0x1;
	s1 =	sadd.s32 s2, s17  }
0x99: {  	s5 =	simm.s32 $0x0;
	s18 =	sshll.u32 s3, $0x1;
	s3 =	sadd.s32 s19, s1  }
0x9a: {  	[timem:s5], [sflag:s20] =	dma.local [hbm:s3], s18  }
0x9b: {  	_ =	swait.ge [sflag:s20], s18  }
0x9c: {  	s2 =	ssub.s32 $0x0, s18;
	[sflag:s20] =	ssyncset.done $0x0  }
0x9d: {  	[sflag:s20] =	ssyncadd.s32 s2;
	_ =	sdelay $0x1  }
0x9e: {  	s21 =	simm.s32 $0x1B8B  }
0x9f: {  	_ =	swait.ge [sflag:s21], $0x1  }
0xa0: {  	[sflag:s21] =	ssyncset.done $0x0  }
0xa1: {  	s23 =	simm.s32 $0x1B8E;
	s22 =	sld [smem:$0x3FFE];
	[sflag:s21] =	ssyncadd.s32 $0xFFFFFFFF  }
0xa2: {  	s24 =	simm.s32 $execute0_lowered;
	[smem:$0x3FD2] =	sst s23  }
0xa3: {  	s3 =	sshll.u32 s24, $0x1;
	_ =	strace $0x80000046;
	[dreg:$0x1] =	wrdreg $0xFFFFFFFF  }
0xa4: {  	s25 =	simm.s32 $_size_execute0_lowered;
	s1 =	sadd.s32 s1, s3;
	[dreg:$0x0] =	wrdreg $0x0  }
0xa5: {  	s3 =	sshll.u32 s25, $0x1;
	[dreg:$0x2] =	wrdreg s1  }
0xa6: {  	[dreg:$0x3] =	wrdreg s3  }
0xa7: {  	[dreg:$0x4] =	wrdreg $0xC0  }
0xa8: {  	_ =	task [dreg:s5], $0x5FFFF  }
0xa9: {  	[dreg:$0x1] =	wrdreg $0xFFFFFFFF  }
0xaa: {  	[dreg:$0x0] =	wrdreg $0x60  }
0xab: {  	[dreg:$0x2] =	wrdreg s22  }
0xac: {  	[dreg:$0x3] =	wrdreg s0  }
0xad: {  	[dreg:$0x4] =	wrdreg $0x12000  }
0xae: {  	[dreg:$0x5] =	wrdreg $0x12100  }
0xaf: {  	[dreg:$0x6] =	wrdreg $0x9  }
0xb0: {  	_ =	task.clear_ibuf [dreg:s5], $0x7FFFF;
	_ =	strace $0x90000046  }
0xb1: {  	s26 =	simm.s32 $0x9;
	_ =	strace $0x80000048  }
0xb2: {  	_ =	swait.ge [sflag:s26], $0x1  }
0xb3: {  	[sflag:s26] =	ssyncadd.s32 $0xFFFFFFFF  }
0xb4: {  	_ =	strace $0x90000048  }
0xb5: {  	_ =	sfence  }
0xb6: {  	s28 =	sld [smem:$0x0];
	_ =	sdelay $0x1  }
0xb7: {  	s29 =	srdreg.scid  }
0xb8: {  	s30 =	sshll.u32 s29, $0xD;
	s31 =	sshrl.u32 s29, $0x2  }
0xb9: {  	s2 =	sand.u32 $0x4000, s30;
	s1 =	sand.u32 $0x1, s29;
	s0 =	sadd.s32 s31, s28  }
0xba: {  	s1 =	sor.u32 s2, s1;
	s0 =	sshll.u32 s0, $0x11  }
0xbb: {  	s0 =	sor.u32 s0, s1  }
0xbc: {  	s0 =	sadd.s32 $0x8F2B, s0  }
0xbd: {  	[sflag:s0] =	ssyncadd.remote.s32 $0x1  }
0xbe: {  	_ =	sfence.sel $0xFFFF  }
0xbf: {  	[dreg:$0x0] =	wrdreg $0xFFFFFFFF;
	(pc) =	sbr.abs _section_cstart, $3  }
0xc0: {  	[dreg:$0x1] =	wrdreg $0xFFFFFFFF  }
0xc1: {  	_ =	task.clear_ibuf [dreg:s5], $0x2FFFF;
	_ =	strace $0x9FFFFFFF  }
0xc2: {  	(tm) =	ssettm $0x7FFFFFFF  }
0xc3: {  	_ =	shalt  }
tec
execute0_lowered:
.L_overlay_start_1:
0x0: {  	(tag) =	ssettag $0x1  }
0x1: {  	s3 =	stileid.u32;
	s6 =	rddreg [dreg:$0x0]  }
0x2: {  	s1 =	rddreg [dreg:$0x1];
	s5 =	sand.u32 $0x7, s3  }
0x3: {  	s8 =	rddreg [dreg:$0x2];
	s4 =	sshrl.u32 s3, $0x3;
	s0 =	smul.u32 $0x1400, s5  }
0x4: {  	s2 =	rddreg [dreg:$0x3];
	s9 =	sshll.u32 s4, $0x7  }
0x5: {  	s10 =	simm.s32 $0x0;
	s15 =	simm.s32 $0x80;
	s7 =	sor.u32 s0, s9  }
0x6: {  	s16 =	simm.s32 $0x400;
	s20 =	simm.s32 $0x280;
	s11 =	sor.u32 $0x300, s7  }
0x7: {  	s22 =	simm.s32 $0x500;
	[smem:$0x7FF] =	sst s10;
	s11 =	sshrl.u32 s11, $0x3  }
0x8: {  	s12 =	sadd.s32 $0xE00, s6;
	s0 =	rddreg [dreg:$0x4];
	s6 =	sadd.s32 s11, s6  }
0x9: {  	_ =	strace $0x80000047;
	s14 =	sadd.s32 $0xA300, s7;
	s13 =	sadd.s32 $0x5E00, s6  }
0xa: {  	[tilespmem:s10], [sflag:$0x1] =	stream.strided.gather [hbm4b:s13+s15], $0x280, s16, s15, $0x38;
	[tilespmem:$0x1218] =	vst v63  }
0xb: {  	s19 =	sadd.s32 $0x14300, s7;
	s14 =	sshrl.u32 s14, $0x3;
	s11 =	sadd.s32 s12, s11  }
0xc: {  	[tilespmem:s20], [sflag:$0x1] =	stream.strided.gather [hbm4b:s11+s15], $0x280, s16, s15, $0x38;
	[tilespmem:$0x1218] =	vst v63  }
0xd: {  	s7 =	sadd.s32 $0x1E300, s7;
	s21 =	sshrl.u32 s19, $0x3;
	s18 =	sadd.s32 s12, s14  }
0xe: {  	[tilespmem:s22], [sflag:$0x1] =	stream.strided.gather [hbm4b:s18+s15], $0x280, s16, s15, $0x38;
	[tilespmem:$0x1218] =	vst v63  }
0xf: {  	s24 =	simm.s32 $0x780;
	s7 =	sshrl.u32 s7, $0x3;
	s23 =	sadd.s32 s12, s21  }
0x10: {  	[tilespmem:s24], [sflag:$0x1] =	stream.strided.gather [hbm4b:s23+s15], $0x280, s16, s15, $0x38;
	[tilespmem:$0x1218] =	vst v63  }
0x11: {  	s25 =	simm.s32 $0xA00;
	s7 =	sadd.s32 s12, s7  }
0x12: {  	[tilespmem:s25], [sflag:$0x1] =	stream.strided.gather [hbm4b:s7+s15], $0x280, s16, s15, $0x38;
	[tilespmem:$0x1218] =	vst v63  }
0x13: {  	s26 =	simm.s32 $0xC80;
	s28 =	simm.s32 $0x1;
	s6 =	sadd.s32 $0x7200, s6  }
0x14: {  	[tilespmem:s26], [sflag:$0x1] =	stream.strided.gather [hbm4b:s6+s15], $0x280, s16, s15, $0x38;
	[tilespmem:$0x1218] =	vst v63  }
0x15: {  	_ =	swait.ge [sflag:s28], $0x280  }
0x16: {  	[sflag:s28] =	ssyncset.done $0x0  }
0x17: {  	[sflag:s28] =	ssyncadd.s32 $0xFFFFFD80  }
0x18: {  	_ =	swait.ge [sflag:s28], $0x280  }
0x19: {  	[sflag:s28] =	ssyncset.done $0x0  }
0x1a: {  	[sflag:s28] =	ssyncadd.s32 $0xFFFFFD80  }
0x1b: {  	_ =	swait.ge [sflag:s28], $0x280  }
0x1c: {  	[sflag:s28] =	ssyncset.done $0x0  }
0x1d: {  	[sflag:s28] =	ssyncadd.s32 $0xFFFFFD80  }
0x1e: {  	_ =	swait.ge [sflag:s28], $0x280  }
0x1f: {  	[sflag:s28] =	ssyncset.done $0x0  }
0x20: {  	[sflag:s28] =	ssyncadd.s32 $0xFFFFFD80  }
0x21: {  	_ =	swait.ge [sflag:s28], $0x280  }
0x22: {  	[sflag:s28] =	ssyncset.done $0x0  }
0x23: {  	[sflag:s28] =	ssyncadd.s32 $0xFFFFFD80  }
0x24: {  	_ =	swait.ge [sflag:s28], $0x280  }
0x25: {  	[sflag:s28] =	ssyncset.done $0x0  }
0x26: {  	v3 =	vimm.s32 $0x0;
	[sflag:s28] =	ssyncadd.s32 $0xFFFFFD80  }
0x27: {  	s29 =	simm.s32 $0x20;
	[tilespmem:$0x1000] =	vst v3  }
0x28: {  	v4 =	vld [tilespmem:s29+$0xFFFFFFE0];
	_ =	sdelay $0x1  }
0x29: {  	s6 =	smul.u32 $0x280, s5;
	v1 =	vld [tilespmem:s29+$0xFFFFFFF0];
	_ =	sdelay $0x1  }
0x2a: {  	v5 =	vimm.f32 $-Inf;
	s7 =	sadd.s32 $0xFFFFFFC0, s6;
	v2 =	vld [tilespmem:s29+$0x0]  }
0x2b: {  	v0 =	vlaneseq.u32;
	s30 =	sadd.s32 $0x40, s7;
	vm0 =	vgt.f32 v4, v5  }
0x2c: {  	s31 =	sadd.s32 $0x50, s7;
	v7 =	vor.u32 s30, v0;
	v6 =	vsel vm0, v4, v5;
	v5 =	vld [tilespmem:s29+$0x10]  }
0x2d: {  	s10 =	simm.s32 $0x0;
	s11 =	simm.s32 $0x60;
	v3 =	vsel vm0, v7, v3;
	v4 =	vor.u32 s31, v0;
	vm0 =	vgt.f32 v1, v6  }
.LBB2_1:
0x2e: {  	v7 =	vld [tilespmem:s11+$0xFFFFFFE0];
	v6 =	vsel vm0, v1, v6;
	v3 =	vsel vm0, v4, v3;
	s12 =	sadd.s32 $0x60, s7;
	s13 =	smov.u32 s10;
	s10 =	sadd.s32 $0x40, s10  }
0x2f: {  	p0 =	slt.u32 s10, $0x240;
	v4 =	vor.u32 s12, v0;
	vm0 =	vgt.f32 v2, v6  }
0x30: {  	s12 =	sadd.s32 $0x70, s7;
	v1 =	vld [tilespmem:s11+$0xFFFFFFF0];
	v6 =	vsel vm0, v2, v6;
	v3 =	vsel vm0, v4, v3  }
.Ltmp0:
0x31: {  	s7 =	sadd.s32 s13, s6;
	v4 =	vor.u32 s12, v0;
	vm0 =	vgt.f32 v5, v6;
	(pc) =	sbr.rel @p0 .LBB2_1-.Ltmp0, $4  }
0x32: {  	s12 =	sadd.s32 $0x40, s7;
	v2 =	vld [tilespmem:s11+$0x0];
	v5 =	vsel vm0, v5, v6;
	v3 =	vsel vm0, v4, v3  }
0x33: {  	v4 =	vor.u32 s12, v0;
	vm0 =	vgt.f32 v7, v5  }
0x34: {  	s12 =	sadd.s32 $0x50, s7;
	v6 =	vsel vm0, v7, v5;
	v3 =	vsel vm0, v4, v3;
	v5 =	vld [tilespmem:s11+$0x10]  }
0x35: {  	v4 =	vor.u32 s12, v0;
	s11 =	sadd.s32 $0x40, s11;
	vm0 =	vgt.f32 v1, v6  }
0x36: {  	v7 =	vimm.s32 $0xFEDCBA98  }
0x37: {  	v8 =	vimm.s32 $0x76543210;
	v7 =	vunpack.c.l.s4.s8 v7  }
0x38: {  	v1 =	vsel vm0, v1, v6;
	v6 =	vunpack.c.l.s4.s8 v8  }
0x39: {  	vm1 =	vgt.f32 v2, v1;
	v7 =	vunpack.c.0.s8.s32 v7  }
0x3a: {  	v8 =	vsel vm1, v2, v1;
	v1 =	vunpack.c.0.s8.s32 v6  }
0x3b: {  	v6 =	vimm.s32 $0xBA98FEDC;
	v2 =	vand.u32 $0xF, v7;
	v7 =	vimm.s32 $0x32107654  }
0x3c: {  	v9 =	vimm.s32 $0xDCFE98BA;
	v6 =	vunpack.c.l.s4.s8 v6;
	v7 =	vunpack.c.l.s4.s8 v7  }
0x3d: {  	v10 =	vimm.s32 $0x54761032;
	v11 =	vimm.s32 $0x67452301;
	vm2 =	vgt.f32 v5, v8  }
0x3e: {  	v2 =	vcombine.low v2, v1;
	v6 =	vunpack.c.0.s8.s32 v6;
	v7 =	vunpack.c.0.s8.s32 v7  }
0x3f: {  	v9 =	vunpack.c.l.s4.s8 v9;
	v10 =	vunpack.c.l.s4.s8 v10;
	v5 =	vsel vm2, v5, v8  }
0x40: {  	v11 =	vunpack.c.l.s4.s8 v11;
	v8 =	vperm.xlane v5, v2;
	v6 =	vcombine.low v7, v6  }
0x41: {  	v7 =	vunpack.c.0.s8.s32 v9;
	v9 =	vunpack.c.0.s8.s32 v10;
	v10 =	vimm.s32 $0xEFCDAB89  }
0x42: {  	v8 =	vmax.f32 v5, v8;
	v10 =	vunpack.c.l.s4.s8 v10;
	v6 =	vand.u32 $0xF, v6  }
0x43: {  	v7 =	vcombine.low v9, v7;
	v12 =	vperm.xlane v8, v6  }
0x44: {  	v9 =	vunpack.c.0.s8.s32 v10;
	v10 =	vunpack.c.0.s8.s32 v11  }
0x45: {  	v7 =	vand.u32 $0xF, v7;
	v8 =	vmax.f32 v8, v12  }
0x46: {  	v9 =	vcombine.low v10, v9;
	v11 =	vperm.xlane v8, v7;
	_ =	sdelay $0x1  }
0x47: {  	v9 =	vand.u32 $0xF, v9;
	v8 =	vmax.f32 v8, v11  }
0x48: {  	s10 =	sadd.s32 $0x60, s7;
	v10 =	vperm.xlane v8, v9  }
0x49: {  	v3 =	vsel vm0, v4, v3;
	s21 =	sadd.s32 $0x70, s7;
	v4 =	vor.u32 s10, v0  }
0x4a: {  	v0 =	vor.u32 s21, v0;
	v3 =	vsel vm1, v4, v3;
	v4 =	vmax.f32 v8, v10  }
0x4b: {  	v0 =	vsel vm2, v0, v3;
	vm0 =	veq.f32 v5, v4  }
0x4c: {  	v0 =	vnsel vm0, $0x7FFFFFFF, v0  }
0x4d: {  	v3 =	vperm.xlane v0, v2;
	_ =	sdelay $0x1  }
0x4e: {  	vm0 =	vlt.s32 v0, v3  }
0x4f: {  	v0 =	vsel vm0, v0, v3  }
0x50: {  	v3 =	vperm.xlane v0, v6;
	_ =	sdelay $0x1  }
0x51: {  	vm0 =	vlt.s32 v0, v3  }
0x52: {  	v0 =	vsel vm0, v0, v3  }
0x53: {  	v3 =	vperm.xlane v0, v7;
	_ =	sdelay $0x1  }
0x54: {  	vm0 =	vlt.s32 v0, v3  }
0x55: {  	v3 =	vsel vm0, v0, v3  }
0x56: {  	v5 =	vperm.xlane v3, v9;
	_ =	sdelay $0x1  }
0x57: {  	vm0 =	vlt.s32 v3, v5  }
0x58: {  	v0 =	vmov s6;
	v3 =	vsel vm0, v3, v5  }
0x59: {  	v5 =	vsub.s32 v3, v0  }
0x5a: {  	vm0 =	vgt.s32 v5, $0x0  }
0x5b: {  	v5 =	vnsel vm0, $0x0, v5;
	_ =	sdelay $0x3  }
0x5c: {  	s22 =	simm.s32 $0xC80  }
0x5d: {  	s23 =	simm.s32 $0xA00;
	v8 =	vld.idx.msk [tilespmem:v5+s22+$0x0], $0xffff  }
0x5e: {  	s24 =	simm.s32 $0x780;
	v10 =	vld.idx.msk [tilespmem:v5+s23+$0x0], $0xffff  }
0x5f: {  	s25 =	simm.s32 $0x500;
	v11 =	vld.idx.msk [tilespmem:v5+s24+$0x0], $0xffff  }
0x60: {  	s26 =	simm.s32 $0x280;
	v12 =	vld.idx.msk [tilespmem:v5+s25+$0x0], $0xffff  }
0x61: {  	vm2 =	vcmask $0x3F1C;
	v5 =	vld.idx.msk [tilespmem:v5+s26+$0x0], $0xffff  }
0x62: {  	vm3 =	vcmask $0x3F18;
	v8 =	vsel vm2, $0x0, v8  }
0x63: {  	vm4 =	vcmask $0x3F14;
	v8 =	vsel vm3, v8, v10  }
0x64: {  	vm5 =	vcmask $0x3F10;
	v8 =	vsel vm4, v8, v11  }
0x65: {  	vm6 =	vcmask $0x3F0C;
	v8 =	vsel vm5, v8, v12  }
0x66: {  	vm7 =	vcmask $0x3F08;
	v5 =	vsel vm6, v8, v5  }
0x67: {  	vm8 =	vmmov $0x1;
	v3 =	vsel vm7, v5, v3  }
0x68: {  	s28 =	sshll.u32 s3, $0x4;
	v3 =	vsel vm8, v4, v3  }
0x69: {  	s29 =	simm.s32 $0xF00;
	s30 =	simm.s32 $0x2;
	s7 =	sadd.s32 s28, s8;
	[tilespmem:$0xF00] =	vst v3  }
0x6a: {  	v3 =	vimm.s32 $0x30201000;
	[spmem:s7] =	stream.linear.scatter [tilespmem:s29], [sflag:$0x2], $0x10, $0x38;
	[tilespmem:$0x1218] =	vst v63  }
0x6b: {  	v4 =	vimm.s32 $0x70605040;
	v3 =	vunpack.c.0.s8.s32 v3;
	_ =	swait.ge [sflag:s30], $0x10  }
0x6c: {  	vm1 =	vcmask $0xF00;
	v4 =	vunpack.c.0.s8.s32 v4;
	[sflag:s30] =	ssyncset.done $0x0  }
0x6d: {  	vm0 =	vcmask $0x1F10;
	v3 =	vnsel vm1, $0x70, v3;
	[sflag:s30] =	ssyncadd.s32 $0xFFFFFFF0  }
0x6e: {  	s31 =	simm.s32 $0xF80;
	s8 =	sadd.s32 s9, s8;
	v3 =	vsel vm0, v4, v3;
	[bflag:$0x0] =	sbarrier.arrive $0xFFFF  }
0x6f: {  	[tilespmem:s31], [sflag:$0x2] =	stream.linear.gather [spmem:s8], $0x80, $0x38;
	[tilespmem:$0x1218] =	vst v63  }
0x70: {  	_ =	swait.ge [sflag:s30], $0x80  }
0x71: {  	[sflag:s30] =	ssyncset.done $0x0  }
0x72: {  	[sflag:s30] =	ssyncadd.s32 $0xFFFFFF80  }
0x73: {  	v3 =	vld.idx.msk [tilespmem:v3+s31+$0x0], $0xffff;
	_ =	sdelay $0x3  }
0x74: {  	v4 =	vimm.s32 $0x31211101  }
0x75: {  	v5 =	vimm.s32 $0x71615141;
	v4 =	vunpack.c.0.s8.s32 v4;
	v8 =	vperm.xlane v3, v2  }
0x76: {  	v5 =	vunpack.c.0.s8.s32 v5  }
0x77: {  	v4 =	vnsel vm1, $0x71, v4;
	v8 =	vmax.f32 v3, v8  }
0x78: {  	v4 =	vsel vm0, v5, v4;
	v5 =	vperm.xlane v8, v6;
	_ =	sdelay $0x1  }
0x79: {  	v5 =	vmax.f32 v8, v5  }
0x7a: {  	v8 =	vperm.xlane v5, v7;
	_ =	sdelay $0x1  }
0x7b: {  	v4 =	vld.idx.msk [tilespmem:v4+s31+$0x0], $0xffff;
	v5 =	vmax.f32 v5, v8  }
0x7c: {  	v8 =	vperm.xlane v5, v9;
	_ =	sdelay $0x1  }
0x7d: {  	v5 =	vmax.f32 v5, v8  }
0x7e: {  	vm10 =	veq.f32 v3, v5  }
0x7f: {  	v3 =	vnsel vm10, $0x7FFFFFFF, v4  }
0x80: {  	v5 =	vperm.xlane v3, v2;
	_ =	sdelay $0x1  }
0x81: {  	vm9 =	vlt.s32 v3, v5  }
0x82: {  	v3 =	vsel vm9, v3, v5  }
0x83: {  	v5 =	vperm.xlane v3, v6;
	_ =	sdelay $0x1  }
0x84: {  	vm9 =	vlt.s32 v3, v5  }
0x85: {  	v3 =	vsel vm9, v3, v5  }
0x86: {  	v5 =	vperm.xlane v3, v7;
	_ =	sdelay $0x1  }
0x87: {  	vm9 =	vlt.s32 v3, v5  }
0x88: {  	v3 =	vsel vm9, v3, v5  }
0x89: {  	v5 =	vperm.xlane v3, v9;
	_ =	sdelay $0x1  }
0x8a: {  	vm9 =	vlt.s32 v3, v5  }
0x8b: {  	v8 =	vsel vm9, v3, v5  }
0x8c: {  	vm9 =	vcmask $0x1F00;
	vm11 =	veq.s32 v8, v4  }
0x8d: {  	v1 =	vnsel vm9, $0x7, v1;
	vm10 =	vmand vm10, vm11  }
0x8e: {  	v1 =	vnsel vm10, $0x7FFFFFFF, v1  }
0x8f: {  	v2 =	vperm.xlane v1, v2;
	_ =	sdelay $0x1  }
0x90: {  	vm10 =	vlt.s32 v1, v2  }
0x91: {  	v1 =	vsel vm10, v1, v2  }
0x92: {  	v2 =	vperm.xlane v1, v6;
	_ =	sdelay $0x1  }
0x93: {  	vm10 =	vlt.s32 v1, v2  }
0x94: {  	v1 =	vsel vm10, v1, v2  }
0x95: {  	v2 =	vperm.xlane v1, v7;
	_ =	sdelay $0x1  }
0x96: {  	vm10 =	vlt.s32 v1, v2  }
0x97: {  	v1 =	vsel vm10, v1, v2  }
0x98: {  	v2 =	vperm.xlane v1, v9;
	_ =	sdelay $0x1  }
0x99: {  	vm10 =	vlt.s32 v1, v2  }
0x9a: {  	v1 =	vsel vm10, v1, v2  }
0x9b: {  	v1 =	vshll.u32 v1, $0x4  }
0x9c: {  	v2 =	vor.u32 $0x2, v1  }
0x9d: {  	v3 =	vor.u32 $0x3, v1  }
0x9e: {  	v6 =	vor.u32 $0x4, v1  }
0x9f: {  	v7 =	vor.u32 $0x5, v1  }
0xa0: {  	v1 =	vor.u32 $0x6, v1  }
0xa1: {  	v4 =	vld.idx.msk [tilespmem:v2+s31+$0x0], $0xffff  }
0xa2: {  	v5 =	vld.idx.msk [tilespmem:v3+s31+$0x0], $0xffff  }
0xa3: {  	v6 =	vld.idx.msk [tilespmem:v6+s31+$0x0], $0xffff  }
0xa4: {  	v7 =	vld.idx.msk [tilespmem:v7+s31+$0x0], $0xffff  }
0xa5: {  	v3 =	vld.idx.msk [tilespmem:v1+s31+$0x0], $0xffff;
	[bflag:$0x0] =	sbarrier.arrive $0xFFFF  }
0xa6: {  	v1 =	vld [tilespmem:$0x1000];
	_ =	sdelay $0x4  }
0xa7: {  	v1 =	vsel vm8, v8, v1  }
0xa8: {  	s9 =	simm.s32 $0x0;
	[tilespmem:$0x1000] =	vst v1  }
0xa9: {  	v10 =	vld [tilespmem:s9+$0x2B0]  }
0xaa: {  	v11 =	vld [tilespmem:s9+$0x530]  }
0xab: {  	v12 =	vld [tilespmem:s9+$0x7B0]  }
0xac: {  	v13 =	vld [tilespmem:s9+$0xA30]  }
0xad: {  	v14 =	vld [tilespmem:s9+$0x2A0]  }
0xae: {  	v15 =	vld [tilespmem:s9+$0x520]  }
0xaf: {  	v16 =	vld [tilespmem:s9+$0x7A0]  }
0xb0: {  	v17 =	vld [tilespmem:s9+$0xA20]  }
0xb1: {  	v8 =	vsub.f32 v7, v5;
	v1 =	vsub.f32 v6, v4;
	v18 =	vld [tilespmem:s9+$0x290]  }
0xb2: {  	v19 =	vld [tilespmem:s9+$0x510]  }
0xb3: {  	v2 =	vimm.s32 $0x0;
	v20 =	vld [tilespmem:s9+$0x790];
	v8 =	vmax.f32 v8, $0.0e+00;
	v1 =	vmax.f32 v1, $0.0e+00  }
0xb4: {  	v21 =	vld [tilespmem:s9+$0xA10];
	v9 =	vmul.f32 v8, v1;
	v8 =	vimm.f32 $-Inf;
	v1 =	vlaneseq.u32  }
0xb5: {  	v22 =	vld [tilespmem:s9+$0x280];
	v24 =	vmax.f32 v4, v10;
	v25 =	vmax.f32 v5, v11;
	v26 =	vmin.f32 v6, v12  }
0xb6: {  	v27 =	vld [tilespmem:s9+$0x780];
	v28 =	vmin.f32 v7, v13;
	v29 =	vmax.f32 v4, v14;
	v10 =	vsub.f32 v12, v10  }
0xb7: {  	v11 =	vsub.f32 v13, v11;
	v13 =	vmax.f32 v5, v15;
	v30 =	vmin.f32 v6, v16  }
0xb8: {  	v23 =	vld [tilespmem:s9+$0x500];
	v31 =	vmin.f32 v7, v17;
	v32 =	vmax.f32 v4, v18;
	v16 =	vsub.f32 v16, v14  }
0xb9: {  	v17 =	vsub.f32 v17, v15;
	v14 =	vmax.f32 v5, v19;
	v33 =	vmin.f32 v6, v20  }
0xba: {  	v34 =	vmin.f32 v7, v21;
	v20 =	vsub.f32 v20, v18;
	v19 =	vsub.f32 v21, v19  }
0xbb: {  	v12 =	vld [tilespmem:s9+$0xA00];
	v18 =	vmax.f32 v4, v22;
	v35 =	vsub.f32 v27, v22;
	v24 =	vsub.f32 v26, v24  }
0xbc: {  	v21 =	vmin.f32 v6, v27;
	v26 =	vsub.f32 v28, v25;
	v27 =	vsub.f32 v30, v29  }
0xbd: {  	v22 =	vmax.f32 v5, v23;
	v15 =	vsub.f32 v31, v13;
	v13 =	vsub.f32 v33, v32  }
0xbe: {  	v14 =	vsub.f32 v34, v14;
	v21 =	vsub.f32 v21, v18;
	v62 =	vmax.f32 v10, $0.0e+00  }
0xbf: {  	v16 =	vmax.f32 v16, $0.0e+00;
	v18 =	vmax.f32 v17, $0.0e+00;
	v63 =	vmax.f32 v11, $0.0e+00  }
0xc0: {  	v11 =	vmax.f32 v35, $0.0e+00;
	v25 =	vmax.f32 v19, $0.0e+00;
	v36 =	vsub.f32 v12, v23  }
0xc1: {  	v10 =	vld [tilespmem:s9+$0xCB0];
	v17 =	vmax.f32 v24, $0.0e+00;
	v19 =	vmax.f32 v26, $0.0e+00;
	v12 =	vmin.f32 v7, v12  }
0xc2: {  	v23 =	vmax.f32 v20, $0.0e+00;
	v22 =	vsub.f32 v12, v22;
	v12 =	vld [tilespmem:s9+$0xCA0];
	v20 =	vmax.f32 v36, $0.0e+00  }
0xc3: {  	s11 =	simm.s32 $0x0;
	s12 =	simm.s32 $0x100;
	s10 =	simm.s32 $0xFFFFFFC0;
	v24 =	vmax.f32 v27, $0.0e+00;
	v26 =	vmul.f32 v20, v11;
	v11 =	vld [tilespmem:s9+$0xC90];
	v20 =	vmul.f32 v63, v62  }
.LBB2_3:
0xc4: {  	s13 =	sshra.s32 s12, $0x2;
	v21 =	vmax.f32 v21, $0.0e+00;
	v22 =	vmax.f32 v22, $0.0e+00;
	v27 =	vld [tilespmem:s9+$0xC80];
	v15 =	vmax.f32 v15, $0.0e+00  }
0xc5: {  	v23 =	vmul.f32 v25, v23;
	v28 =	vld [tilespmem:s13+$0x2B0];
	v21 =	vmul.f32 v22, v21;
	v22 =	vadd.f32 v26, v9  }
0xc6: {  	v13 =	vmax.f32 v13, $0.0e+00;
	v14 =	vmax.f32 v14, $0.0e+00;
	v16 =	vmul.f32 v18, v16;
	v25 =	vld [tilespmem:s13+$0x530]  }
0xc7: {  	v13 =	vmul.f32 v14, v13;
	v14 =	vadd.f32 v23, v9;
	v18 =	vld [tilespmem:s13+$0x7B0];
	v22 =	vsub.f32 v22, v21  }
0xc8: {  	s14 =	sadd.s32 s10, s6;
	v17 =	vmul.f32 v19, v17;
	s10 =	smov.u32 s11;
	v15 =	vmul.f32 v15, v24;
	v16 =	vadd.f32 v16, v9;
	v23 =	vld [tilespmem:s13+$0xA30]  }
0xc9: {  	v20 =	vadd.f32 v20, v9;
	s15 =	sadd.s32 $0x70, s14;
	v14 =	vsub.f32 v14, v13;
	v19 =	vld [tilespmem:s13+$0x2A0];
	v22 =	vmax.f32 v22, $9.999999710e-10  }
0xca: {  	s16 =	sadd.s32 $0x60, s14;
	v26 =	vor.u32 s15, v1;
	v16 =	vsub.f32 v16, v15;
	v24 =	vld [tilespmem:s13+$0x520];
	(erf) = vrcp.f32 v22  }
0xcb: {  	s15 =	sadd.s32 $0x50, s14;
	v29 =	vor.u32 s16, v1;
	v20 =	vsub.f32 v20, v17;
	v14 =	vmax.f32 v14, $9.999999710e-10;
	v22 =	vld [tilespmem:s13+$0x7A0]  }
0xcc: {  	s14 =	sadd.s32 $0x40, s14;
	v31 =	vor.u32 s15, v1;
	v16 =	vmax.f32 v16, $9.999999710e-10;
	v30 =	vld [tilespmem:s13+$0xA20];
	(erf) = vrcp.f32 v14  }
0xcd: {  	v32 =	vor.u32 s14, v1;
	v20 =	vmax.f32 v20, $9.999999710e-10;
	v14 =	vld [tilespmem:s13+$0x290];
	(erf) = vrcp.f32 v16  }
0xce: {  	vm10 =	veq.s32 v10, v3;
	vm11 =	veq.s32 v12, v3;
	v16 =	vld [tilespmem:s13+$0x510];
	(erf) = vrcp.f32 v20  }
0xcf: {  	vm12 =	veq.s32 v11, v3;
	vm13 =	veq.s32 v27, v3;
	v12 =	vmax.f32 v4, v28;
	v10 =	vld [tilespmem:s13+$0x790]  }
0xd0: {  	v27 =	vmin.f32 v6, v18;
	v33 =	vmin.f32 v7, v23;
	v20 =	vmax.f32 v5, v25;
	v11 =	vld [tilespmem:s13+$0xA10]  }
0xd1: {  	v18 =	vsub.f32 v18, v28;
	v23 =	vsub.f32 v23, v25;
	v35 =	vmax.f32 v4, v19;
	v34 =	vld [tilespmem:s13+$0x280]  }
0xd2: {  	v28 =	vmax.f32 v5, v24;
	v36 =	vmin.f32 v6, v22;
	v37 =	vmin.f32 v7, v30;
	v25 =	vld [tilespmem:s13+$0x500]  }
0xd3: {  	v19 =	vsub.f32 v22, v19;
	v24 =	vsub.f32 v30, v24;
	v38 =	vmax.f32 v4, v14;
	v22 =	vld [tilespmem:s9+$0x0];
	v30 =	vpop (erf)  }
0xd4: {  	v39 =	vmax.f32 v5, v16;
	v40 =	vmin.f32 v6, v10;
	v43 =	vmul.f32 v30, v21  }
0xd5: {  	v10 =	vsub.f32 v10, v14;
	v30 =	vmin.f32 v7, v11;
	v11 =	vsub.f32 v11, v16;
	v14 =	vld [tilespmem:s9+$0x10];
	v16 =	vpop (erf)  }
0xd6: {  	v41 =	vmax.f32 v4, v34;
	vm14 =	vgt.f32 v43, $5.000000000e-01;
	v13 =	vmul.f32 v16, v13;
	v16 =	vpop (erf)  }
0xd7: {  	v42 =	vmax.f32 v5, v25;
	vm13 =	vmand vm13, vm14;
	v15 =	vmul.f32 v16, v15;
	v16 =	vld [tilespmem:s9+$0x20];
	v21 =	vpop (erf)  }
0xd8: {  	v43 =	vld [tilespmem:s13+$0x780];
	v22 =	vsel vm13, $0xFF800000, v22;
	vm13 =	vgt.f32 v13, $5.000000000e-01;
	v13 =	vmul.f32 v21, v17  }
0xd9: {  	[tilespmem:s9+$0x0] =	vst v22;
	vm14 =	vgt.f32 v22, v8;
	vm12 =	vmand vm12, vm13;
	vm13 =	vgt.f32 v15, $5.000000000e-01;
	v15 =	vld [tilespmem:s9+$0x30]  }
0xda: {  	v17 =	vld [tilespmem:s13+$0xA00];
	v8 =	vsel vm14, v22, v8;
	v2 =	vsel vm14, v32, v2;
	v14 =	vsel vm12, $0xFF800000, v14  }
0xdb: {  	vm11 =	vmand vm11, vm13;
	vm13 =	vgt.f32 v13, $5.000000000e-01;
	[tilespmem:s9+$0x10] =	vst v14;
	vm12 =	vgt.f32 v14, v8  }
0xdc: {  	v8 =	vsel vm12, v14, v8;
	v2 =	vsel vm12, v31, v2;
	v13 =	vsel vm11, $0xFF800000, v16  }
0xdd: {  	vm10 =	vmand vm10, vm13;
	v31 =	vsub.f32 v43, v34;
	[tilespmem:s9+$0x20] =	vst v13;
	vm11 =	vgt.f32 v13, v8  }
0xde: {  	s11 =	sadd.s32 $0x40, s11;
	v8 =	vsel vm11, v13, v8;
	v2 =	vsel vm11, v29, v2;
	v13 =	vsel vm10, $0xFF800000, v15  }
0xdf: {  	p0 =	slt.u32 s11, $0x240;
	v27 =	vsub.f32 v27, v12;
	v29 =	vsub.f32 v17, v25;
	[tilespmem:s9+$0x30] =	vst v13;
	vm10 =	vgt.f32 v13, v8;
	s9 =	smov.u32 s13  }
0xe0: {  	v20 =	vsub.f32 v33, v20;
	v8 =	vsel vm10, v13, v8;
	v2 =	vsel vm10, v26, v2  }
0xe1: {  	v32 =	vsub.f32 v36, v35;
	v12 =	vmin.f32 v6, v43;
	v15 =	vsub.f32 v37, v28  }
0xe2: {  	v14 =	vsub.f32 v30, v39;
	v16 =	vmin.f32 v7, v17;
	v13 =	vsub.f32 v40, v38  }
.Ltmp1:
0xe3: {  	v21 =	vsub.f32 v12, v41;
	v28 =	vmax.f32 v18, $0.0e+00;
	v22 =	vsub.f32 v16, v42;
	(pc) =	sbr.rel @p0 .LBB2_3-.Ltmp1, $4  }
0xe4: {  	v30 =	vmax.f32 v23, $0.0e+00;
	v18 =	vmax.f32 v24, $0.0e+00;
	v16 =	vmax.f32 v19, $0.0e+00  }
0xe5: {  	v23 =	vmax.f32 v10, $0.0e+00;
	v24 =	vmax.f32 v31, $0.0e+00;
	v25 =	vmax.f32 v11, $0.0e+00;
	v10 =	vld [tilespmem:s9+$0xCB0]  }
0xe6: {  	v17 =	vmax.f32 v27, $0.0e+00;
	v19 =	vmax.f32 v20, $0.0e+00;
	v11 =	vmax.f32 v29, $0.0e+00;
	v12 =	vld [tilespmem:s9+$0xCA0]  }
0xe7: {  	s12 =	sadd.s32 $0x100, s12;
	v20 =	vmul.f32 v30, v28;
	v26 =	vmul.f32 v11, v24;
	v24 =	vmax.f32 v32, $0.0e+00;
	v11 =	vld [tilespmem:s9+$0xC90]  }
0xe8: {  	v4 =	vmax.f32 v21, $0.0e+00;
	v5 =	vmax.f32 v22, $0.0e+00  }
0xe9: {  	v4 =	vmul.f32 v5, v4;
	v5 =	vadd.f32 v26, v9  }
0xea: {  	v6 =	vmax.f32 v15, $0.0e+00;
	v7 =	vmul.f32 v25, v23;
	v13 =	vmax.f32 v13, $0.0e+00  }
0xeb: {  	v14 =	vmax.f32 v14, $0.0e+00;
	v15 =	vmul.f32 v18, v16;
	v5 =	vsub.f32 v5, v4  }
0xec: {  	v13 =	vmul.f32 v14, v13;
	v6 =	vmul.f32 v6, v24;
	v7 =	vadd.f32 v7, v9  }
0xed: {  	v14 =	vadd.f32 v15, v9;
	v15 =	vmul.f32 v19, v17;
	v5 =	vmax.f32 v5, $9.999999710e-10  }
0xee: {  	v9 =	vadd.f32 v20, v9;
	v7 =	vsub.f32 v7, v13;
	(erf) = vrcp.f32 v5  }
0xef: {  	v5 =	vsub.f32 v14, v6  }
0xf0: {  	v9 =	vsub.f32 v9, v15;
	v7 =	vmax.f32 v7, $9.999999710e-10  }
0xf1: {  	(erf) = vrcp.f32 v7;
	v5 =	vmax.f32 v5, $9.999999710e-10  }
0xf2: {  	v7 =	vmax.f32 v9, $9.999999710e-10;
	(erf) = vrcp.f32 v5  }
0xf3: {  	(erf) = vrcp.f32 v7;
	_ =	sdelay $0x1  }
0xf4: {  	v5 =	vld [tilespmem:s9+$0xC80];
	_ =	sdelay $0x1  }
0xf5: {  	v7 =	vld [tilespmem:s9+$0x0];
	v9 =	vpop (erf)  }
0xf6: {  	vm13 =	veq.s32 v10, v3;
	v4 =	vmul.f32 v9, v4  }
0xf7: {  	vm12 =	veq.s32 v12, v3;
	vm14 =	veq.s32 v11, v3;
	v11 =	vimm.s32 $0x32107654  }
0xf8: {  	v11 =	vunpack.c.l.s4.s8 v11;
	vm10 =	veq.s32 v5, v3;
	v9 =	vld [tilespmem:s9+$0x10];
	v12 =	vpop (erf);
	vm11 =	vgt.f32 v4, $5.000000000e-01  }
0xf9: {  	v14 =	vimm.s32 $0x54761032;
	v4 =	vmul.f32 v12, v13;
	v3 =	vpop (erf);
	vm10 =	vmand vm10, vm11  }
0xfa: {  	v11 =	vunpack.c.0.s8.s32 v11;
	v5 =	vld [tilespmem:s9+$0x20];
	v3 =	vmul.f32 v3, v6;
	v6 =	vpop (erf);
	v7 =	vsel vm10, $0xFF800000, v7  }
0xfb: {  	vm11 =	vgt.f32 v4, $5.000000000e-01;
	v4 =	vmul.f32 v6, v15;
	vm10 =	vgt.f32 v7, v8  }
0xfc: {  	vm11 =	vmand vm14, vm11;
	vm14 =	vgt.f32 v3, $5.000000000e-01;
	v3 =	vld [tilespmem:s9+$0x30];
	v6 =	vsel vm10, v7, v8  }
0xfd: {  	v8 =	vsel vm11, $0xFF800000, v9;
	vm12 =	vmand vm12, vm14;
	v9 =	vimm.s32 $0xFEDCBA98  }
0xfe: {  	vm14 =	vgt.f32 v4, $5.000000000e-01;
	v4 =	vunpack.c.l.s4.s8 v9;
	v9 =	vimm.s32 $0x76543210  }
0xff: {  	vm11 =	vgt.f32 v8, v6;
	v5 =	vsel vm12, $0xFF800000, v5;
	v9 =	vunpack.c.l.s4.s8 v9  }
0x100: {  	vm13 =	vmand vm13, vm14;
	v6 =	vsel vm11, v8, v6;
	v4 =	vunpack.c.0.s8.s32 v4  }
0x101: {  	v10 =	vsel vm13, $0xFF800000, v3;
	v3 =	vunpack.c.0.s8.s32 v9;
	v9 =	vimm.s32 $0xBA98FEDC  }
0x102: {  	v14 =	vunpack.c.l.s4.s8 v14;
	vm12 =	vgt.f32 v5, v6;
	v9 =	vunpack.c.l.s4.s8 v9  }
0x103: {  	v13 =	vimm.s32 $0xDCFE98BA;
	v6 =	vsel vm12, v5, v6;
	v4 =	vand.u32 $0xF, v4  }
0x104: {  	vm13 =	vgt.f32 v10, v6;
	v4 =	vcombine.low v4, v3;
	v9 =	vunpack.c.0.s8.s32 v9  }
0x105: {  	v13 =	vunpack.c.l.s4.s8 v13;
	v15 =	vimm.s32 $0x67452301;
	v6 =	vsel vm13, v10, v6  }
0x106: {  	v15 =	vunpack.c.l.s4.s8 v15;
	v12 =	vperm.xlane v6, v4;
	v9 =	vcombine.low v11, v9  }
0x107: {  	v11 =	vunpack.c.0.s8.s32 v13;
	v13 =	vunpack.c.0.s8.s32 v14;
	v14 =	vimm.s32 $0xEFCDAB89  }
0x108: {  	v12 =	vmax.f32 v6, v12;
	v14 =	vunpack.c.l.s4.s8 v14;
	v9 =	vand.u32 $0xF, v9  }
0x109: {  	v11 =	vcombine.low v13, v11;
	v16 =	vperm.xlane v12, v9  }
0x10a: {  	v13 =	vunpack.c.0.s8.s32 v14;
	v14 =	vunpack.c.0.s8.s32 v15  }
0x10b: {  	v11 =	vand.u32 $0xF, v11;
	v12 =	vmax.f32 v12, v16  }
0x10c: {  	s10 =	sadd.s32 s10, s6;
	v13 =	vcombine.low v14, v13;
	v15 =	vperm.xlane v12, v11  }
0x10d: {  	s11 =	sadd.s32 $0x40, s10  }
0x10e: {  	s12 =	sadd.s32 $0x50, s10;
	v14 =	vor.u32 s11, v1;
	v13 =	vand.u32 $0xF, v13;
	v12 =	vmax.f32 v12, v15  }
0x10f: {  	s22 =	sadd.s32 $0x60, s10;
	v2 =	vsel vm10, v14, v2;
	v15 =	vor.u32 s12, v1;
	v14 =	vperm.xlane v12, v13  }
0x110: {  	s10 =	sadd.s32 $0x70, s10;
	v16 =	vor.u32 s22, v1;
	v2 =	vsel vm11, v15, v2  }
0x111: {  	v1 =	vor.u32 s10, v1;
	v2 =	vsel vm12, v16, v2;
	v12 =	vmax.f32 v12, v14  }
0x112: {  	v1 =	vsel vm13, v1, v2;
	vm10 =	veq.f32 v6, v12  }
0x113: {  	v1 =	vnsel vm10, $0x7FFFFFFF, v1  }
0x114: {  	v2 =	vperm.xlane v1, v4;
	_ =	sdelay $0x1  }
0x115: {  	vm10 =	vlt.s32 v1, v2  }
0x116: {  	v1 =	vsel vm10, v1, v2  }
0x117: {  	v2 =	vperm.xlane v1, v9;
	_ =	sdelay $0x1  }
0x118: {  	vm10 =	vlt.s32 v1, v2  }
0x119: {  	v1 =	vsel vm10, v1, v2  }
0x11a: {  	v2 =	vperm.xlane v1, v11;
	_ =	sdelay $0x1  }
0x11b: {  	vm10 =	vlt.s32 v1, v2  }
0x11c: {  	v1 =	vsel vm10, v1, v2  }
0x11d: {  	v2 =	vperm.xlane v1, v13;
	_ =	sdelay $0x1  }
0x11e: {  	vm10 =	vlt.s32 v1, v2  }
0x11f: {  	v1 =	vsel vm10, v1, v2  }
0x120: {  	v2 =	vsub.s32 v1, v0  }
0x121: {  	vm10 =	vgt.s32 v2, $0x0  }
0x122: {  	v2 =	vnsel vm10, $0x0, v2  }
0x123: {  	[tilespmem:s9+$0x0] =	vst v7  }
0x124: {  	[tilespmem:s9+$0x10] =	vst v8  }
0x125: {  	[tilespmem:s9+$0x20] =	vst v5  }
0x126: {  	s23 =	simm.s32 $0xC80;
	[tilespmem:s9+$0x30] =	vst v10  }
0x127: {  	s24 =	simm.s32 $0xA00;
	v5 =	vld.idx.msk [tilespmem:v2+s23+$0x0], $0xffff  }
0x128: {  	s25 =	simm.s32 $0x780;
	v6 =	vld.idx.msk [tilespmem:v2+s24+$0x0], $0xffff  }
0x129: {  	s26 =	simm.s32 $0x500;
	v7 =	vld.idx.msk [tilespmem:v2+s25+$0x0], $0xffff  }
0x12a: {  	s28 =	simm.s32 $0x280;
	v8 =	vld.idx.msk [tilespmem:v2+s26+$0x0], $0xffff  }
0x12b: {  	v2 =	vld.idx.msk [tilespmem:v2+s28+$0x0], $0xffff  }
0x12c: {  	v5 =	vsel vm2, $0x0, v5  }
0x12d: {  	v5 =	vsel vm3, v5, v6  }
0x12e: {  	v5 =	vsel vm4, v5, v7  }
0x12f: {  	v5 =	vsel vm5, v5, v8  }
0x130: {  	v2 =	vsel vm6, v5, v2  }
0x131: {  	v1 =	vsel vm7, v2, v1  }
0x132: {  	v1 =	vsel vm8, v12, v1  }
0x133: {  	s29 =	simm.s32 $0xF00;
	s30 =	simm.s32 $0x2;
	[tilespmem:$0xF00] =	vst v1  }
0x134: {  	v1 =	vimm.s32 $0x30201000;
	[spmem:s7] =	stream.linear.scatter [tilespmem:s29], [sflag:$0x2], $0x10, $0x38;
	[tilespmem:$0x1218] =	vst v63  }
0x135: {  	v2 =	vimm.s32 $0x70605040;
	v1 =	vunpack.c.0.s8.s32 v1;
	_ =	swait.ge [sflag:s30], $0x10  }
0x136: {  	v2 =	vunpack.c.0.s8.s32 v2;
	[sflag:s30] =	ssyncset.done $0x0  }
0x137: {  	v1 =	vnsel vm1, $0x70, v1;
	[sflag:s30] =	ssyncadd.s32 $0xFFFFFFF0  }
0x138: {  	s31 =	simm.s32 $0xF80;
	v1 =	vsel vm0, v2, v1;
	[bflag:$0x0] =	sbarrier.arrive $0xFFFF  }
0x139: {  	[tilespmem:s31], [sflag:$0x2] =	stream.linear.gather [spmem:s8], $0x80, $0x38;
	[tilespmem:$0x1218] =	vst v63  }
0x13a: {  	_ =	swait.ge [sflag:s30], $0x80  }
0x13b: {  	[sflag:s30] =	ssyncset.done $0x0  }
0x13c: {  	[sflag:s30] =	ssyncadd.s32 $0xFFFFFF80  }
0x13d: {  	v1 =	vld.idx.msk [tilespmem:v1+s31+$0x0], $0xffff;
	_ =	sdelay $0x3  }
0x13e: {  	v2 =	vimm.s32 $0x31211101  }
0x13f: {  	v5 =	vimm.s32 $0x71615141;
	v2 =	vunpack.c.0.s8.s32 v2;
	v6 =	vperm.xlane v1, v4  }
0x140: {  	v5 =	vunpack.c.0.s8.s32 v5  }
0x141: {  	v2 =	vnsel vm1, $0x71, v2;
	v6 =	vmax.f32 v1, v6  }
0x142: {  	v2 =	vsel vm0, v5, v2;
	v5 =	vperm.xlane v6, v9;
	_ =	sdelay $0x1  }
0x143: {  	v5 =	vmax.f32 v6, v5  }
0x144: {  	v6 =	vperm.xlane v5, v11;
	_ =	sdelay $0x1  }
0x145: {  	v2 =	vld.idx.msk [tilespmem:v2+s31+$0x0], $0xffff;
	v5 =	vmax.f32 v5, v6  }
0x146: {  	v6 =	vperm.xlane v5, v13;
	_ =	sdelay $0x1  }
0x147: {  	v5 =	vmax.f32 v5, v6  }
0x148: {  	vm10 =	veq.f32 v1, v5  }
0x149: {  	v1 =	vnsel vm10, $0x7FFFFFFF, v2  }
0x14a: {  	v5 =	vperm.xlane v1, v4;
	_ =	sdelay $0x1  }
0x14b: {  	vm11 =	vlt.s32 v1, v5  }
0x14c: {  	v1 =	vsel vm11, v1, v5  }
0x14d: {  	v5 =	vperm.xlane v1, v9;
	_ =	sdelay $0x1  }
0x14e: {  	vm11 =	vlt.s32 v1, v5  }
0x14f: {  	v1 =	vsel vm11, v1, v5  }
0x150: {  	v5 =	vperm.xlane v1, v11;
	_ =	sdelay $0x1  }
0x151: {  	vm11 =	vlt.s32 v1, v5  }
0x152: {  	v1 =	vsel vm11, v1, v5  }
0x153: {  	v5 =	vperm.xlane v1, v13;
	_ =	sdelay $0x1  }
0x154: {  	vm11 =	vlt.s32 v1, v5  }
0x155: {  	v1 =	vsel vm11, v1, v5  }
0x156: {  	vm11 =	veq.s32 v1, v2  }
0x157: {  	v2 =	vnsel vm9, $0x7, v3;
	vm10 =	vmand vm10, vm11  }
0x158: {  	v2 =	vnsel vm10, $0x7FFFFFFF, v2  }
0x159: {  	v3 =	vperm.xlane v2, v4;
	_ =	sdelay $0x1  }
0x15a: {  	vm9 =	vlt.s32 v2, v3  }
0x15b: {  	v2 =	vsel vm9, v2, v3  }
0x15c: {  	v3 =	vperm.xlane v2, v9;
	_ =	sdelay $0x1  }
0x15d: {  	vm9 =	vlt.s32 v2, v3  }
0x15e: {  	v2 =	vsel vm9, v2, v3  }
0x15f: {  	v3 =	vperm.xlane v2, v11;
	_ =	sdelay $0x1  }
0x160: {  	vm9 =	vlt.s32 v2, v3  }
0x161: {  	v2 =	vsel vm9, v2, v3  }
0x162: {  	v3 =	vperm.xlane v2, v13;
	_ =	sdelay $0x1  }
0x163: {  	vm9 =	vlt.s32 v2, v3  }
0x164: {  	v2 =	vsel vm9, v2, v3  }
0x165: {  	v2 =	vshll.u32 v2, $0x4  }
0x166: {  	v3 =	vor.u32 $0x2, v2  }
0x167: {  	v5 =	vor.u32 $0x3, v2  }
0x168: {  	v6 =	vor.u32 $0x4, v2  }
0x169: {  	v7 =	vor.u32 $0x5, v2  }
0x16a: {  	v2 =	vor.u32 $0x6, v2  }
0x16b: {  	v4 =	vld.idx.msk [tilespmem:v3+s31+$0x0], $0xffff  }
0x16c: {  	v5 =	vld.idx.msk [tilespmem:v5+s31+$0x0], $0xffff  }
0x16d: {  	v6 =	vld.idx.msk [tilespmem:v6+s31+$0x0], $0xffff  }
0x16e: {  	v7 =	vld.idx.msk [tilespmem:v7+s31+$0x0], $0xffff  }
0x16f: {  	v3 =	vld.idx.msk [tilespmem:v2+s31+$0x0], $0xffff;
	[bflag:$0x0] =	sbarrier.arrive $0xFFFF  }
0x170: {  	v2 =	vld [tilespmem:$0x1000];
	_ =	sdelay $0x3  }
0x171: {  	vm9 =	vcmask $0x308  }
0x172: {  	v1 =	vsel vm9, v2, v1  }
0x173: {  	s9 =	simm.s32 $0x0;
	[tilespmem:$0x1000] =	vst v1  }
0x174: {  	v10 =	vld [tilespmem:s9+$0x2B0]  }
0x175: {  	v11 =	vld [tilespmem:s9+$0x530]  }
0x176: {  	v12 =	vld [tilespmem:s9+$0x7B0]  }
0x177: {  	v13 =	vld [tilespmem:s9+$0xA30]  }
0x178: {  	v14 =	vld [tilespmem:s9+$0x2A0]  }
0x179: {  	v15 =	vld [tilespmem:s9+$0x520]  }
0x17a: {  	v16 =	vld [tilespmem:s9+$0x7A0]  }
0x17b: {  	v17 =	vld [tilespmem:s9+$0xA20]  }
0x17c: {  	v8 =	vsub.f32 v7, v5;
	v1 =	vsub.f32 v6, v4;
	v18 =	vld [tilespmem:s9+$0x290]  }
0x17d: {  	v19 =	vld [tilespmem:s9+$0x510]  }
0x17e: {  	v2 =	vimm.s32 $0x0;
	v8 =	vmax.f32 v8, $0.0e+00;
	v20 =	vld [tilespmem:s9+$0x790];
	v1 =	vmax.f32 v1, $0.0e+00  }
0x17f: {  	v21 =	vld [tilespmem:s9+$0xA10];
	v9 =	vmul.f32 v8, v1;
	v8 =	vimm.f32 $-Inf;
	v1 =	vlaneseq.u32  }
0x180: {  	v22 =	vld [tilespmem:s9+$0x280];
	v24 =	vmax.f32 v4, v10;
	v25 =	vmax.f32 v5, v11;
	v26 =	vmin.f32 v6, v12  }
0x181: {  	v27 =	vld [tilespmem:s9+$0x780];
	v28 =	vmin.f32 v7, v13;
	v29 =	vmax.f32 v4, v14;
	v10 =	vsub.f32 v12, v10  }
0x182: {  	v11 =	vsub.f32 v13, v11;
	v13 =	vmax.f32 v5, v15;
	v30 =	vmin.f32 v6, v16  }
0x183: {  	v23 =	vld [tilespmem:s9+$0x500];
	v31 =	vmin.f32 v7, v17;
	v32 =	vmax.f32 v4, v18;
	v16 =	vsub.f32 v16, v14  }
0x184: {  	v17 =	vsub.f32 v17, v15;
	v14 =	vmax.f32 v5, v19;
	v33 =	vmin.f32 v6, v20  }
0x185: {  	v34 =	vmin.f32 v7, v21;
	v20 =	vsub.f32 v20, v18;
	v19 =	vsub.f32 v21, v19  }
0x186: {  	v12 =	vld [tilespmem:s9+$0xA00];
	v18 =	vmax.f32 v4, v22;
	v35 =	vsub.f32 v27, v22;
	v24 =	vsub.f32 v26, v24  }
0x187: {  	v21 =	vmin.f32 v6, v27;
	v26 =	vsub.f32 v28, v25;
	v27 =	vsub.f32 v30, v29  }
0x188: {  	v22 =	vmax.f32 v5, v23;
	v15 =	vsub.f32 v31, v13;
	v13 =	vsub.f32 v33, v32  }
0x189: {  	v14 =	vsub.f32 v34, v14;
	v21 =	vsub.f32 v21, v18;
	v62 =	vmax.f32 v10, $0.0e+00  }
0x18a: {  	v16 =	vmax.f32 v16, $0.0e+00;
	v18 =	vmax.f32 v17, $0.0e+00;
	v63 =	vmax.f32 v11, $0.0e+00  }
0x18b: {  	v11 =	vmax.f32 v35, $0.0e+00;
	v25 =	vmax.f32 v19, $0.0e+00;
	v36 =	vsub.f32 v12, v23  }
0x18c: {  	v10 =	vld [tilespmem:s9+$0xCB0];
	v17 =	vmax.f32 v24, $0.0e+00;
	v19 =	vmax.f32 v26, $0.0e+00;
	v12 =	vmin.f32 v7, v12  }
0x18d: {  	v23 =	vmax.f32 v20, $0.0e+00;
	v22 =	vsub.f32 v12, v22;
	v12 =	vld [tilespmem:s9+$0xCA0];
	v20 =	vmax.f32 v36, $0.0e+00  }
0x18e: {  	s11 =	simm.s32 $0x0;
	s10 =	simm.s32 $0xFFFFFFC0;
	s12 =	simm.s32 $0x100;
	v24 =	vmax.f32 v27, $0.0e+00;
	v26 =	vmul.f32 v20, v11;
	v11 =	vld [tilespmem:s9+$0xC90];
	v20 =	vmul.f32 v63, v62  }
.LBB2_5:
0x18f: {  	s13 =	sshra.s32 s12, $0x2;
	v21 =	vmax.f32 v21, $0.0e+00;
	v22 =	vmax.f32 v22, $0.0e+00;
	v27 =	vld [tilespmem:s9+$0xC80];
	v15 =	vmax.f32 v15, $0.0e+00  }
0x190: {  	v23 =	vmul.f32 v25, v23;
	v28 =	vld [tilespmem:s13+$0x2B0];
	v21 =	vmul.f32 v22, v21;
	v22 =	vadd.f32 v26, v9  }
0x191: {  	v13 =	vmax.f32 v13, $0.0e+00;
	v14 =	vmax.f32 v14, $0.0e+00;
	v16 =	vmul.f32 v18, v16;
	v25 =	vld [tilespmem:s13+$0x530]  }
0x192: {  	v13 =	vmul.f32 v14, v13;
	v14 =	vadd.f32 v23, v9;
	v18 =	vld [tilespmem:s13+$0x7B0];
	v22 =	vsub.f32 v22, v21  }
0x193: {  	s14 =	sadd.s32 s10, s6;
	v17 =	vmul.f32 v19, v17;
	s10 =	smov.u32 s11;
	v15 =	vmul.f32 v15, v24;
	v16 =	vadd.f32 v16, v9;
	v23 =	vld [tilespmem:s13+$0xA30]  }
0x194: {  	v20 =	vadd.f32 v20, v9;
	s15 =	sadd.s32 $0x70, s14;
	v14 =	vsub.f32 v14, v13;
	v19 =	vld [tilespmem:s13+$0x2A0];
	v22 =	vmax.f32 v22, $9.999999710e-10  }
0x195: {  	s16 =	sadd.s32 $0x60, s14;
	v26 =	vor.u32 s15, v1;
	v16 =	vsub.f32 v16, v15;
	v24 =	vld [tilespmem:s13+$0x520];
	(erf) = vrcp.f32 v22  }
0x196: {  	s15 =	sadd.s32 $0x50, s14;
	v29 =	vor.u32 s16, v1;
	v20 =	vsub.f32 v20, v17;
	v14 =	vmax.f32 v14, $9.999999710e-10;
	v22 =	vld [tilespmem:s13+$0x7A0]  }
0x197: {  	s14 =	sadd.s32 $0x40, s14;
	v31 =	vor.u32 s15, v1;
	v16 =	vmax.f32 v16, $9.999999710e-10;
	v30 =	vld [tilespmem:s13+$0xA20];
	(erf) = vrcp.f32 v14  }
0x198: {  	v32 =	vor.u32 s14, v1;
	v20 =	vmax.f32 v20, $9.999999710e-10;
	v14 =	vld [tilespmem:s13+$0x290];
	(erf) = vrcp.f32 v16  }
0x199: {  	vm9 =	veq.s32 v10, v3;
	vm10 =	veq.s32 v12, v3;
	v16 =	vld [tilespmem:s13+$0x510];
	(erf) = vrcp.f32 v20  }
0x19a: {  	vm11 =	veq.s32 v11, v3;
	vm12 =	veq.s32 v27, v3;
	v12 =	vmax.f32 v4, v28;
	v10 =	vld [tilespmem:s13+$0x790]  }
0x19b: {  	v27 =	vmin.f32 v6, v18;
	v33 =	vmin.f32 v7, v23;
	v20 =	vmax.f32 v5, v25;
	v11 =	vld [tilespmem:s13+$0xA10]  }
0x19c: {  	v18 =	vsub.f32 v18, v28;
	v23 =	vsub.f32 v23, v25;
	v35 =	vmax.f32 v4, v19;
	v34 =	vld [tilespmem:s13+$0x280]  }
0x19d: {  	v28 =	vmax.f32 v5, v24;
	v36 =	vmin.f32 v6, v22;
	v37 =	vmin.f32 v7, v30;
	v25 =	vld [tilespmem:s13+$0x500]  }
0x19e: {  	v19 =	vsub.f32 v22, v19;
	v24 =	vsub.f32 v30, v24;
	v38 =	vmax.f32 v4, v14;
	v22 =	vld [tilespmem:s9+$0x0];
	v30 =	vpop (erf)  }
0x19f: {  	v39 =	vmax.f32 v5, v16;
	v40 =	vmin.f32 v6, v10;
	v43 =	vmul.f32 v30, v21  }
0x1a0: {  	v10 =	vsub.f32 v10, v14;
	v30 =	vmin.f32 v7, v11;
	v11 =	vsub.f32 v11, v16;
	v14 =	vld [tilespmem:s9+$0x10];
	v16 =	vpop (erf)  }
0x1a1: {  	v41 =	vmax.f32 v4, v34;
	vm13 =	vgt.f32 v43, $5.000000000e-01;
	v13 =	vmul.f32 v16, v13;
	v16 =	vpop (erf)  }
0x1a2: {  	v42 =	vmax.f32 v5, v25;
	vm12 =	vmand vm12, vm13;
	v15 =	vmul.f32 v16, v15;
	v16 =	vld [tilespmem:s9+$0x20];
	v21 =	vpop (erf)  }
0x1a3: {  	v43 =	vld [tilespmem:s13+$0x780];
	v22 =	vsel vm12, $0xFF800000, v22;
	vm12 =	vgt.f32 v13, $5.000000000e-01;
	v13 =	vmul.f32 v21, v17  }
0x1a4: {  	[tilespmem:s9+$0x0] =	vst v22;
	vm13 =	vgt.f32 v22, v8;
	vm11 =	vmand vm11, vm12;
	vm12 =	vgt.f32 v15, $5.000000000e-01;
	v15 =	vld [tilespmem:s9+$0x30]  }
0x1a5: {  	v17 =	vld [tilespmem:s13+$0xA00];
	v8 =	vsel vm13, v22, v8;
	v2 =	vsel vm13, v32, v2;
	v14 =	vsel vm11, $0xFF800000, v14  }
0x1a6: {  	vm10 =	vmand vm10, vm12;
	vm12 =	vgt.f32 v13, $5.000000000e-01;
	[tilespmem:s9+$0x10] =	vst v14;
	vm11 =	vgt.f32 v14, v8  }
0x1a7: {  	v8 =	vsel vm11, v14, v8;
	v2 =	vsel vm11, v31, v2;
	v13 =	vsel vm10, $0xFF800000, v16  }
0x1a8: {  	vm9 =	vmand vm9, vm12;
	v31 =	vsub.f32 v43, v34;
	[tilespmem:s9+$0x20] =	vst v13;
	vm10 =	vgt.f32 v13, v8  }
0x1a9: {  	s11 =	sadd.s32 $0x40, s11;
	v8 =	vsel vm10, v13, v8;
	v2 =	vsel vm10, v29, v2;
	v13 =	vsel vm9, $0xFF800000, v15  }
0x1aa: {  	p0 =	slt.u32 s11, $0x240;
	v27 =	vsub.f32 v27, v12;
	v29 =	vsub.f32 v17, v25;
	[tilespmem:s9+$0x30] =	vst v13;
	vm9 =	vgt.f32 v13, v8;
	s9 =	smov.u32 s13  }
0x1ab: {  	v20 =	vsub.f32 v33, v20;
	v8 =	vsel vm9, v13, v8;
	v2 =	vsel vm9, v26, v2  }
0x1ac: {  	v32 =	vsub.f32 v36, v35;
	v12 =	vmin.f32 v6, v43;
	v15 =	vsub.f32 v37, v28  }
0x1ad: {  	v14 =	vsub.f32 v30, v39;
	v16 =	vmin.f32 v7, v17;
	v13 =	vsub.f32 v40, v38  }
.Ltmp2:
0x1ae: {  	v21 =	vsub.f32 v12, v41;
	v28 =	vmax.f32 v18, $0.0e+00;
	v22 =	vsub.f32 v16, v42;
	(pc) =	sbr.rel @p0 .LBB2_5-.Ltmp2, $4  }
0x1af: {  	v30 =	vmax.f32 v23, $0.0e+00;
	v18 =	vmax.f32 v24, $0.0e+00;
	v16 =	vmax.f32 v19, $0.0e+00  }
0x1b0: {  	v23 =	vmax.f32 v10, $0.0e+00;
	v24 =	vmax.f32 v31, $0.0e+00;
	v25 =	vmax.f32 v11, $0.0e+00;
	v10 =	vld [tilespmem:s9+$0xCB0]  }
0x1b1: {  	v17 =	vmax.f32 v27, $0.0e+00;
	v19 =	vmax.f32 v20, $0.0e+00;
	v11 =	vmax.f32 v29, $0.0e+00;
	v12 =	vld [tilespmem:s9+$0xCA0]  }
0x1b2: {  	s12 =	sadd.s32 $0x100, s12;
	v20 =	vmul.f32 v30, v28;
	v26 =	vmul.f32 v11, v24;
	v24 =	vmax.f32 v32, $0.0e+00;
	v11 =	vld [tilespmem:s9+$0xC90]  }
0x1b3: {  	v4 =	vmax.f32 v21, $0.0e+00;
	v5 =	vmax.f32 v22, $0.0e+00;
	v6 =	vmax.f32 v15, $0.0e+00  }
0x1b4: {  	v7 =	vmul.f32 v25, v23;
	v4 =	vmul.f32 v5, v4;
	v60 =	vadd.f32 v26, v9  }
0x1b5: {  	v13 =	vmax.f32 v13, $0.0e+00;
	v14 =	vmax.f32 v14, $0.0e+00;
	v61 =	vmul.f32 v18, v16  }
0x1b6: {  	v13 =	vmul.f32 v14, v13;
	v7 =	vadd.f32 v7, v9;
	v5 =	vsub.f32 v60, v4  }
0x1b7: {  	v6 =	vmul.f32 v6, v24  }
0x1b8: {  	v62 =	vadd.f32 v61, v9;
	v7 =	vsub.f32 v7, v13;
	v5 =	vmax.f32 v5, $9.999999710e-10  }
0x1b9: {  	v63 =	vmul.f32 v19, v17;
	v16 =	vadd.f32 v20, v9;
	(erf) = vrcp.f32 v5  }
0x1ba: {  	v17 =	vsub.f32 v62, v6;
	v7 =	vmax.f32 v7, $9.999999710e-10  }
0x1bb: {  	v9 =	vsub.f32 v16, v63;
	(erf) = vrcp.f32 v7  }
0x1bc: {  	v5 =	vmax.f32 v17, $9.999999710e-10  }
0x1bd: {  	v18 =	vmax.f32 v9, $9.999999710e-10;
	(erf) = vrcp.f32 v5  }
0x1be: {  	(erf) = vrcp.f32 v18;
	_ =	sdelay $0x1  }
0x1bf: {  	v19 =	vld [tilespmem:s9+$0xC80];
	v32 =	vimm.s32 $0xFEDCBA98;
	v33 =	vimm.s32 $0x76543210  }
0x1c0: {  	v34 =	vimm.s32 $0xBA98FEDC;
	v36 =	vimm.s32 $0x32107654;
	v38 =	vimm.s32 $0xDCFE98BA  }
0x1c1: {  	v39 =	vimm.s32 $0x54761032;
	v42 =	vimm.s32 $0xEFCDAB89;
	v20 =	vld [tilespmem:s9+$0x0];
	v35 =	vunpack.c.l.s4.s8 v34;
	v21 =	vpop (erf)  }
0x1c2: {  	vm12 =	veq.s32 v10, v3;
	v10 =	vunpack.c.l.s4.s8 v36;
	v4 =	vmul.f32 v21, v4  }
0x1c3: {  	v22 =	vld [tilespmem:s9+$0x10];
	vm11 =	veq.s32 v12, v3;
	vm13 =	veq.s32 v11, v3;
	v9 =	vunpack.c.l.s4.s8 v32;
	v23 =	vpop (erf)  }
0x1c4: {  	vm9 =	veq.s32 v19, v3;
	v24 =	vmul.f32 v23, v13;
	vm10 =	vgt.f32 v4, $5.000000000e-01  }
0x1c5: {  	v26 =	vld [tilespmem:s9+$0x20];
	v10 =	vunpack.c.0.s8.s32 v10;
	v9 =	vunpack.c.0.s8.s32 v9;
	v25 =	vpop (erf);
	vm9 =	vmand vm9, vm10  }
0x1c6: {  	v3 =	vmul.f32 v25, v6;
	v27 =	vpop (erf);
	vm15 =	vgt.f32 v24, $5.000000000e-01;
	v7 =	vsel vm9, $0xFF800000, v20  }
0x1c7: {  	v29 =	vld [tilespmem:s9+$0x30];
	v28 =	vmul.f32 v27, v63;
	vm10 =	vmand vm13, vm15;
	vm9 =	vgt.f32 v7, v8  }
0x1c8: {  	vm13 =	vgt.f32 v3, $5.000000000e-01;
	v31 =	vsel vm10, $0xFF800000, v22;
	v30 =	vsel vm9, v7, v8  }
0x1c9: {  	v4 =	vunpack.c.l.s4.s8 v33;
	vm11 =	vmand vm11, vm13;
	vm10 =	vgt.f32 v31, v30  }
0x1ca: {  	vm13 =	vgt.f32 v28, $5.000000000e-01;
	v5 =	vsel vm11, $0xFF800000, v26;
	v6 =	vsel vm10, v31, v30  }
0x1cb: {  	v4 =	vunpack.c.0.s8.s32 v4;
	vm12 =	vmand vm12, vm13;
	vm11 =	vgt.f32 v5, v6  }
0x1cc: {  	v9 =	vand.u32 $0xF, v9;
	v3 =	vsel vm12, $0xFF800000, v29;
	v6 =	vsel vm11, v5, v6  }
0x1cd: {  	v4 =	vcombine.low v9, v4;
	v9 =	vunpack.c.0.s8.s32 v35;
	vm12 =	vgt.f32 v3, v6  }
0x1ce: {  	v12 =	vunpack.c.l.s4.s8 v38;
	v13 =	vunpack.c.l.s4.s8 v39;
	v6 =	vsel vm12, v3, v6  }
0x1cf: {  	v43 =	vimm.s32 $0x67452301;
	v9 =	vcombine.low v10, v9;
	v37 =	vperm.xlane v6, v4  }
0x1d0: {  	v14 =	vunpack.c.l.s4.s8 v43;
	v40 =	vunpack.c.0.s8.s32 v12;
	v41 =	vunpack.c.0.s8.s32 v13  }
0x1d1: {  	v13 =	vunpack.c.l.s4.s8 v42;
	v9 =	vand.u32 $0xF, v9;
	v11 =	vmax.f32 v6, v37  }
0x1d2: {  	v10 =	vcombine.low v41, v40;
	v44 =	vperm.xlane v11, v9  }
0x1d3: {  	v46 =	vunpack.c.0.s8.s32 v14;
	v45 =	vunpack.c.0.s8.s32 v13  }
0x1d4: {  	v10 =	vand.u32 $0xF, v10;
	v11 =	vmax.f32 v11, v44  }
0x1d5: {  	s6 =	sadd.s32 s10, s6;
	v12 =	vcombine.low v46, v45;
	v47 =	vperm.xlane v11, v10  }
0x1d6: {  	s10 =	sadd.s32 $0x40, s6  }
0x1d7: {  	s11 =	sadd.s32 $0x50, s6;
	v48 =	vor.u32 s10, v1;
	v12 =	vand.u32 $0xF, v12;
	v11 =	vmax.f32 v11, v47  }
0x1d8: {  	s23 =	sadd.s32 $0x60, s6;
	v49 =	vor.u32 s11, v1;
	v2 =	vsel vm9, v48, v2;
	v50 =	vperm.xlane v11, v12  }
0x1d9: {  	s6 =	sadd.s32 $0x70, s6;
	v51 =	vor.u32 s23, v1;
	v2 =	vsel vm10, v49, v2  }
0x1da: {  	v52 =	vor.u32 s6, v1;
	v2 =	vsel vm11, v51, v2;
	v11 =	vmax.f32 v11, v50  }
0x1db: {  	v1 =	vsel vm12, v52, v2;
	vm14 =	veq.f32 v6, v11  }
0x1dc: {  	v1 =	vnsel vm14, $0x7FFFFFFF, v1  }
0x1dd: {  	v53 =	vperm.xlane v1, v4;
	_ =	sdelay $0x1  }
0x1de: {  	vm9 =	vlt.s32 v1, v53  }
0x1df: {  	v1 =	vsel vm9, v1, v53  }
0x1e0: {  	v2 =	vperm.xlane v1, v9;
	_ =	sdelay $0x1  }
0x1e1: {  	vm9 =	vlt.s32 v1, v2  }
0x1e2: {  	v1 =	vsel vm9, v1, v2  }
0x1e3: {  	v2 =	vperm.xlane v1, v10;
	_ =	sdelay $0x1  }
0x1e4: {  	vm9 =	vlt.s32 v1, v2  }
0x1e5: {  	v1 =	vsel vm9, v1, v2  }
0x1e6: {  	v2 =	vperm.xlane v1, v12;
	_ =	sdelay $0x1  }
0x1e7: {  	vm9 =	vlt.s32 v1, v2  }
0x1e8: {  	v1 =	vsel vm9, v1, v2  }
0x1e9: {  	v0 =	vsub.s32 v1, v0  }
0x1ea: {  	vm15 =	vgt.s32 v0, $0x0  }
0x1eb: {  	v0 =	vnsel vm15, $0x0, v0  }
0x1ec: {  	[tilespmem:s9+$0x0] =	vst v7  }
0x1ed: {  	[tilespmem:s9+$0x10] =	vst v31  }
0x1ee: {  	[tilespmem:s9+$0x20] =	vst v5  }
0x1ef: {  	s24 =	simm.s32 $0xC80;
	[tilespmem:s9+$0x30] =	vst v3  }
0x1f0: {  	s25 =	simm.s32 $0xA00;
	v54 =	vld.idx.msk [tilespmem:v0+s24+$0x0], $0xffff  }
0x1f1: {  	s26 =	simm.s32 $0x780;
	v3 =	vld.idx.msk [tilespmem:v0+s25+$0x0], $0xffff  }
0x1f2: {  	s28 =	simm.s32 $0x500;
	v5 =	vld.idx.msk [tilespmem:v0+s26+$0x0], $0xffff  }
0x1f3: {  	s29 =	simm.s32 $0x280;
	v55 =	vld.idx.msk [tilespmem:v0+s28+$0x0], $0xffff  }
0x1f4: {  	v0 =	vld.idx.msk [tilespmem:v0+s29+$0x0], $0xffff  }
0x1f5: {  	v2 =	vsel vm2, $0x0, v54  }
0x1f6: {  	v2 =	vsel vm3, v2, v3  }
0x1f7: {  	v2 =	vsel vm4, v2, v5  }
0x1f8: {  	v2 =	vsel vm5, v2, v55  }
0x1f9: {  	v0 =	vsel vm6, v2, v0  }
0x1fa: {  	v0 =	vsel vm7, v0, v1  }
0x1fb: {  	v0 =	vsel vm8, v11, v0  }
0x1fc: {  	s30 =	simm.s32 $0xF00;
	s6 =	simm.s32 $0x2;
	[tilespmem:$0xF00] =	vst v0  }
0x1fd: {  	v56 =	vimm.s32 $0x30201000;
	[spmem:s7] =	stream.linear.scatter [tilespmem:s30], [sflag:$0x2], $0x10, $0x38;
	[tilespmem:$0x1218] =	vst v63  }
0x1fe: {  	v57 =	vimm.s32 $0x70605040;
	v0 =	vunpack.c.0.s8.s32 v56;
	_ =	swait.ge [sflag:s6], $0x10  }
0x1ff: {  	v1 =	vunpack.c.0.s8.s32 v57;
	[sflag:s6] =	ssyncset.done $0x0  }
0x200: {  	v0 =	vnsel vm1, $0x70, v0;
	[sflag:s6] =	ssyncadd.s32 $0xFFFFFFF0  }
0x201: {  	s31 =	simm.s32 $0xF80;
	v0 =	vsel vm0, v1, v0;
	[bflag:$0x0] =	sbarrier.arrive $0xFFFF  }
0x202: {  	[tilespmem:s31], [sflag:$0x2] =	stream.linear.gather [spmem:s8], $0x80, $0x38;
	[tilespmem:$0x1218] =	vst v63  }
0x203: {  	_ =	swait.ge [sflag:s6], $0x80  }
0x204: {  	[sflag:s6] =	ssyncset.done $0x0  }
0x205: {  	[sflag:s6] =	ssyncadd.s32 $0xFFFFFF80  }
0x206: {  	v0 =	vld.idx.msk [tilespmem:v0+s31+$0x0], $0xffff;
	_ =	sdelay $0x3  }
0x207: {  	v58 =	vimm.s32 $0x31211101  }
0x208: {  	v59 =	vimm.s32 $0x71615141;
	v1 =	vunpack.c.0.s8.s32 v58;
	v60 =	vperm.xlane v0, v4  }
0x209: {  	v2 =	vunpack.c.0.s8.s32 v59  }
0x20a: {  	v1 =	vnsel vm1, $0x71, v1;
	v3 =	vmax.f32 v0, v60  }
0x20b: {  	v1 =	vsel vm0, v2, v1;
	v61 =	vperm.xlane v3, v9;
	_ =	sdelay $0x1  }
0x20c: {  	v2 =	vmax.f32 v3, v61  }
0x20d: {  	v3 =	vperm.xlane v2, v10;
	_ =	sdelay $0x1  }
0x20e: {  	v1 =	vld.idx.msk [tilespmem:v1+s31+$0x0], $0xffff;
	v2 =	vmax.f32 v2, v3  }
0x20f: {  	v3 =	vperm.xlane v2, v12;
	_ =	sdelay $0x1  }
0x210: {  	v2 =	vmax.f32 v2, v3  }
0x211: {  	vm2 =	veq.f32 v0, v2  }
0x212: {  	v0 =	vnsel vm2, $0x7FFFFFFF, v1  }
0x213: {  	v1 =	vperm.xlane v0, v4;
	_ =	sdelay $0x1  }
0x214: {  	vm2 =	vlt.s32 v0, v1  }
0x215: {  	v0 =	vsel vm2, v0, v1  }
0x216: {  	v1 =	vperm.xlane v0, v9;
	_ =	sdelay $0x1  }
0x217: {  	vm2 =	vlt.s32 v0, v1  }
0x218: {  	v0 =	vsel vm2, v0, v1  }
0x219: {  	v1 =	vperm.xlane v0, v10;
	_ =	sdelay $0x1  }
0x21a: {  	[bflag:$0x0] =	sbarrier.arrive $0xFFFF;
	vm2 =	vlt.s32 v0, v1  }
0x21b: {  	v62 =	vld [tilespmem:$0x1000];
	v0 =	vsel vm2, v0, v1  }
0x21c: {  	p1 =	seq.s32 s5, $0x0;
	v63 =	vperm.xlane v0, v12  }
.Ltmp3:
0x21d: {  	_ = 	snop;
	(pc) =	sbr.rel @p1 .LBB2_8-.Ltmp3, $4  }
0x21e: {  	vm2 =	vlt.s32 v0, v63  }
0x21f: {  	v0 =	vsel vm2, v0, v63;
	vm2 =	vcmask $0x70C  }
0x220: {  	v0 =	vsel vm2, v62, v0  }
0x221: {  	p0 =	sne.s32 s3, $0x0;
	[tilespmem:$0x1000] =	vst v0  }
.Ltmp4:
0x222: {  	(pc) =	sbr.rel .LBB2_10-.Ltmp4, $2  }
0x223: {  	_ =	sdelay $0x1  }
0x224: {  	[bflag:$0x0] =	sbarrier.arrive $0xFFFF;
	_ =	sdelay $0x1  }
.LBB2_8:
0x225: {  	s3 =	sshll.u32 s4, $0x4  }
0x226: {  	s31 =	simm.s32 $0x1000;
	s3 =	sadd.s32 s3, s2  }
0x227: {  	[spmem:s3] =	stream.linear.scatter [tilespmem:s31], [sflag:$0x2], $0x10, $0x38;
	[tilespmem:$0x1218] =	vst v63  }
0x228: {  	_ =	swait.ge [sflag:s6], $0x10  }
0x229: {  	[sflag:s6] =	ssyncset.done $0x0  }
0x22a: {  	[sflag:s6] =	ssyncadd.s32 $0xFFFFFFF0  }
0x22b: {  	[bflag:$0x0] =	sbarrier.arrive $0xFFFF  }
0x22c: {  	_ =	sfence.sel @p0 $0x180000  }
0x22d: {  	[bflag:$0x0] =	sbarrier.arrive @p0 $0xFFFF  }
0x22e: {  	_ =	strace @p0 $0x90000047  }
0x22f: {  	[bflag:$0x2] =	sbarrier.arrive @p0 $0xFFFF  }
0x230: {  	_ =	shalt @p0  }
.LBB2_9:
0x231: {  	v1 =	vimm.s32 $0x210  }
0x232: {  	v0 =	vimm.s32 $0x10020100;
	v1 =	vunpack.c.l.s4.s8 v1  }
0x233: {  	v2 =	vimm.s32 $0x1F1F1211;
	v3 =	vimm.s32 $0x81808281;
	v0 =	vunpack.c.0.s8.s32 v0  }
0x234: {  	vm12 =	vcmask $0xB00;
	v2 =	vunpack.c.0.s8.s32 v2;
	v1 =	vunpack.c.0.s8.s32 v1  }
0x235: {  	v4 =	vimm.s32 $0x82818082;
	v3 =	vunpack.c.0.s8.s32 v3;
	v0 =	vnsel vm1, $0x1F, v0  }
0x236: {  	s3 =	simm.s32 $0x1080;
	s30 =	simm.s32 $0x2;
	v63 =	vunpack.c.0.s8.s32 v4;
	v0 =	vsel vm0, v2, v0;
	v1 =	vnsel vm12, $0x80, v1  }
0x237: {  	vm13 =	vcmask $0x2F20;
	[tilespmem:s3], [sflag:$0x2] =	stream.linear.gather [spmem:s2], $0x80, $0x38;
	v1 =	vsel vm0, v3, v1;
	[tilespmem:$0x1218] =	vst v63  }
0x238: {  	vm14 =	vcmask $0x3734;
	_ =	swait.ge [sflag:s30], $0x80;
	v1 =	vsel vm13, v63, v1  }
0x239: {  	vm15 =	vcmask $0x3B38;
	[sflag:s30] =	ssyncset.done $0x0;
	v1 =	vsel vm14, $0x81, v1  }
0x23a: {  	[sflag:s30] =	ssyncadd.s32 $0xFFFFFF80;
	v1 =	vsel vm15, $0x82, v1  }
0x23b: {  	v0 =	vld.idx.msk [tilespmem:v0+s3+$0x0], $0xffff;
	v1 =	vand.u32 $0xFF, v1;
	_ =	sdelay $0x3  }
0x23c: {  	s31 =	simm.s32 $0x1100  }
0x23d: {  	s4 =	simm.s32 $0x0;
	[tilespmem:v1+s31+$0x0] =	vst.idx.msk $0x3f, v0  }
0x23e: {  	[hbm4b:s1+s4] =	stream.linear.scatter [tilespmem:s31], [sflag:$0x2], $0x100, $0x38;
	[tilespmem:$0x1218] =	vst v63  }
0x23f: {  	_ =	swait.ge [sflag:s30], $0x100  }
0x240: {  	[sflag:s30] =	ssyncset.done $0x0  }
0x241: {  	[sflag:s30] =	ssyncadd.s32 $0xFFFFFF00  }
.LBB2_10:
0x242: {  	_ =	sfence.sel $0x180000  }
0x243: {  	[bflag:$0x0] =	sbarrier.arrive $0xFFFF  }
0x244: {  	_ =	strace $0x90000047  }
0x245: {  	s0 =	sadd.s32 @!p0 $0x100000, s0;
	[bflag:$0x2] =	sbarrier.arrive $0xFFFF  }
0x246: {  	[sflag:s0] =	ssyncadd.tile.s32 @!p0 $0x1;
	_ =	shalt  }
.Lfunc_end2:
_tile_overlayer_lowered:
.L_overlay_start_2:
0x247: {  	(tag) =	ssettag $0x2  }
0x248: {  	s0 =	rddreg [dreg:$0x0];
	s2 =	stileid.u32  }
0x249: {  	s1 =	rddreg [dreg:$0x1];
	p0 =	sne.s32 s2, $0x0  }
0x24a: {  	s3 =	rddreg [dreg:$0x2];
	[bflag:$0x3] =	sbarrier.arrive $0xFFFF;
	s2 =	simm.s32 @!p0 $0x1C02  }
0x24b: {  	[timem:s3], [sflag:s2] =	dma.local @!p0 [hbm:s0], s1  }
0x24c: {  	s0 =	simm.s32 @!p0 $0x2  }
0x24d: {  	_ =	swait.ge @!p0 [sflag:s0], s1  }
0x24e: {  	s1 =	ssub.s32 @!p0 $0x0, s1;
	[sflag:s0] =	ssyncset.done @!p0 $0x0  }
0x24f: {  	[sflag:s0] =	ssyncadd.s32 @!p0 s1  }
0x250: {  	[bflag:$0x3] =	sbarrier.arrive $0xFFFF  }
0x251: {  	_ =	shalt  }

</sc_bundles>
